<compile_context>
chip_gen: v7x
topology: tpu7x:2x2x1
jax: 0.10.2.dev20260603
libtpu: 0.0.44.dev20260713+nightly
codegen_flags: <defaults>
</compile_context>

<pallas_src>
import numpy as np
import jax
import jax.numpy as jnp
from jax import lax
from jax.experimental import pallas as pl
from jax.experimental.pallas import tpu as pltpu
from jax.experimental.pallas import tpu_sc as plsc

_NUM_GROUPS = 256
_GROUP_SIZE = 32
_RADIUS = 0.2
_UPSCALE = 64
_E_IDX = 3

_R2 = np.float32(_RADIUS * _RADIUS)
_HI_BITS = int(np.float32(_R2).view(np.int32)) + 1
_IMAX = np.int32(2**31 - 1)
_NW = 32
_RPW = (4 * _NUM_GROUPS) // _NW



def _fps_kernel(pt_ref, valid_ref, centers_ref, md_ref):
    B, _, N = pt_ref.shape
    x = pt_ref[:, 0, :]
    y = pt_ref[:, 1, :]
    z = pt_ref[:, 2, :]
    e = pt_ref[:, 3, :]
    valid = valid_ref[:, 0, :] != 0
    lane = jax.lax.broadcasted_iota(jnp.int32, (B, N), 1)
    inf = jnp.float32(jnp.inf)
    md_ref[...] = jnp.where(valid, inf, -inf)

    def pick(col):
        onehot = lane == col
        sel = lambda v: jnp.sum(jnp.where(onehot, v, 0.0), axis=1, keepdims=True)
        return sel(x), sel(y), sel(z), sel(e)

    def emit(i, coords):
        lx, ly, lz, le = coords
        row = jnp.concatenate([lx, ly, lz, le], axis=1).reshape(B, 1, 4)
        centers_ref[:, pl.ds(i, 1), :] = row

    first = pick(jnp.zeros((B, 1), jnp.int32))
    emit(0, first)

    def step(i, coords):
        lx, ly, lz, _ = coords
        dx = x - lx
        dy = y - ly
        dz = z - lz
        d = dx * dx + dy * dy + dz * dz
        md = jnp.minimum(md_ref[...], jnp.where(valid, d, -inf))
        md_ref[...] = md
        m = jnp.max(md, axis=1, keepdims=True)
        nxt = jnp.min(jnp.where(md == m, lane, N), axis=1, keepdims=True)
        coords = pick(nxt)
        emit(i, coords)
        return coords

    jax.lax.fori_loop(1, _NUM_GROUPS, step, first)


def _fps_centers(points_t, valid):
    B, _, N = points_t.shape
    return pl.pallas_call(
        _fps_kernel,
        out_shape=jax.ShapeDtypeStruct((B, _NUM_GROUPS, 4), jnp.float32),
        scratch_shapes=[pltpu.VMEM((B, N), jnp.float32)],
    )(points_t, valid)



def _iota16():
    return lax.broadcasted_iota(jnp.int32, (16,), 0)


def _splat(x):
    return jnp.broadcast_to(x, (16,))


def _select_kernel(planes, centers, lengths, groups_out, mask_out,
                   px_v, py_v, pz_v, pe_v, cand_db, cand_ix, pool_db, pool_ix,
                   outidx_v, outrow_v, maskrow_v, centers_v, len_v):
    wid = lax.axis_index("s") * 2 + lax.axis_index("c")
    batch = wid // (_NUM_GROUPS // _RPW)
    iota = _iota16()

    for ch, pv in zip(range(4), (px_v, py_v, pz_v, pe_v)):
        pltpu.sync_copy(planes.at[batch, ch], pv)
    pltpu.sync_copy(centers.at[pl.ds(wid * _RPW, _RPW)], centers_v)
    pltpu.sync_copy(lengths, len_v)
    lenb = plsc.load_gather(len_v, [_splat(batch)])

    def row_body(r, _):
        row = wid * _RPW + r
        cx = plsc.load_gather(centers_v, [_splat(r), _splat(jnp.int32(0))])
        cy = plsc.load_gather(centers_v, [_splat(r), _splat(jnp.int32(1))])
        cz = plsc.load_gather(centers_v, [_splat(r), _splat(jnp.int32(2))])

        def compact(c, off_s):
            sl = pl.ds(c * 16, 16)
            dx = cx - px_v[sl]
            dy = cy - py_v[sl]
            dz = cz - pz_v[sl]
            v = dx * dx + dy * dy + dz * dz
            gidx = c * 16 + iota
            m = (v <= _R2) & (gidx < lenb)
            mi = m.astype(jnp.int32)
            incl = plsc.cumsum(mi)
            dest = _splat(off_s) + incl - mi
            plsc.store_scatter(cand_db, [dest], plsc.bitcast(v, jnp.int32), mask=m)
            plsc.store_scatter(cand_ix, [dest], gidx, mask=m)
            return off_s + incl[15]

        cnt_s = plsc.parallel_loop(0, 512, unroll=4, carry=jnp.int32(0))(
            lambda c, off_s: compact(c, off_s))
        cnt = _splat(cnt_s)
        nchunks = (cnt_s + 15) // 16
        kwant_s = jnp.minimum(cnt_s, _UPSCALE)

        def count_le(mid_s):
            mid = _splat(mid_s)

            def cc(c, acc_v):
                vb = cand_db[pl.ds(c * 16, 16)]
                inb = (c * 16 + iota) < cnt
                return acc_v + ((vb <= mid) & inb).astype(jnp.int32)

            acc = plsc.parallel_loop(0, nchunks, unroll=4,
                                     carry=_splat(jnp.int32(0)))(cc)
            return jnp.sum(acc)

        def bs(_, lohi):
            lo, hi = lohi
            mid = (lo + hi) // 2
            ge = count_le(mid) >= kwant_s
            return (jnp.where(ge, lo, mid + 1), jnp.where(ge, mid, hi))

        t_s, _hi = lax.fori_loop(0, 31, bs,
                                 (jnp.int32(0), jnp.int32(_HI_BITS)))
        t = _splat(t_s)
        n_lt_s = count_le(t_s - 1)
        need_eq = _splat(kwant_s - n_lt_s)

        for j in range(5):
            pool_db[pl.ds(16 * j, 16)] = _splat(_IMAX)
            pool_ix[pl.ds(16 * j, 16)] = _splat(jnp.int32(0))

        def pbuild(c, carry):
            poff_s, eqs_s = carry
            vb = cand_db[pl.ds(c * 16, 16)]
            vi = cand_ix[pl.ds(c * 16, 16)]
            inb = (c * 16 + iota) < cnt
            is_lt = (vb < t) & inb
            is_eq = (vb == t) & inb
            eqi = is_eq.astype(jnp.int32)
            eq_excl = _splat(eqs_s) + plsc.cumsum(eqi) - eqi
            take = is_lt | (is_eq & (eq_excl < need_eq))
            ti = take.astype(jnp.int32)
            dest = _splat(poff_s) + plsc.cumsum(ti) - ti
            plsc.store_scatter(pool_db, [dest], vb, mask=take)
            plsc.store_scatter(pool_ix, [dest], vi, mask=take)
            return (poff_s + jnp.sum(ti), eqs_s + jnp.sum(eqi))

        lax.fori_loop(0, nchunks, pbuild, (jnp.int32(0), jnp.int32(0)))
        pool_n = _splat(kwant_s)

        peb, pdb, pix = [], [], []
        for j in range(4):
            inb = (16 * j + iota) < pool_n
            pj = pool_ix[pl.ds(16 * j, 16)]
            ev = plsc.load_gather(pe_v, [pj])
            peb.append(jnp.where(inb, plsc.bitcast(ev, jnp.int32),
                                 _splat(jnp.int32(-1))))
            pdb.append(pool_db[pl.ds(16 * j, 16)])
            pix.append(pj)

        def extract(k, eb):
            eb = list(eb)
            m_s = jnp.max(jnp.maximum(jnp.maximum(eb[0], eb[1]),
                                      jnp.maximum(eb[2], eb[3])))
            me = _splat(m_s)
            tie = [eb[j] == me for j in range(4)]
            dmv = [jnp.where(tie[j], pdb[j], _splat(_IMAX)) for j in range(4)]
            d_s = jnp.min(jnp.minimum(jnp.minimum(dmv[0], dmv[1]),
                                      jnp.minimum(dmv[2], dmv[3])))
            dm = _splat(d_s)
            tie2 = [tie[j] & (pdb[j] == dm) for j in range(4)]
            imv = [jnp.where(tie2[j], pix[j], _splat(_IMAX)) for j in range(4)]
            i_s = jnp.min(jnp.minimum(jnp.minimum(imv[0], imv[1]),
                                      jnp.minimum(imv[2], imv[3])))
            im = _splat(i_s)
            chosen = [tie2[j] & (pix[j] == im) for j in range(4)]
            eb = [jnp.where(chosen[j], _splat(jnp.int32(-1)), eb[j])
                  for j in range(4)]
            plsc.store_scatter(outidx_v, [_splat(k)], im, mask=iota == 0)
            return tuple(eb)

        lax.fori_loop(0, _GROUP_SIZE, extract, tuple(peb))

        inv_r = jnp.float32(1.0 / _RADIUS)
        nvalid = _splat(jnp.minimum(kwant_s, _GROUP_SIZE))
        for j in range(2):
            oi = outidx_v[pl.ds(16 * j, 16)]
            vk = (16 * j + iota) < nvalid
            px = plsc.load_gather(px_v, [oi])
            py = plsc.load_gather(py_v, [oi])
            pz = plsc.load_gather(pz_v, [oi])
            pe = plsc.load_gather(pe_v, [oi])
            zero = _splat(jnp.float32(0.0))
            gx = jnp.where(vk, (px - cx) * inv_r, zero)
            gy = jnp.where(vk, (py - cy) * inv_r, zero)
            gz = jnp.where(vk, (pz - cz) * inv_r, zero)
            ge = jnp.where(vk, pe, zero)
            base = (16 * j + iota) * 4
            plsc.store_scatter(outrow_v, [base], gx)
            plsc.store_scatter(outrow_v, [base + 1], gy)
            plsc.store_scatter(outrow_v, [base + 2], gz)
            plsc.store_scatter(outrow_v, [base + 3], ge)
            maskrow_v[pl.ds(16 * j, 16)] = vk.astype(jnp.int32)
        pltpu.sync_copy(outrow_v, groups_out.at[row])
        pltpu.sync_copy(maskrow_v, mask_out.at[row])
        return 0

    lax.fori_loop(0, _RPW, row_body, 0)


def _sc_select(planes, centers_flat, lengths_pad):
    _, _, N = planes.shape
    BG = centers_flat.shape[0]
    mesh = plsc.VectorSubcoreMesh(core_axis_name="c", subcore_axis_name="s")
    f = pl.kernel(
        _select_kernel,
        compiler_params=pltpu.CompilerParams(needs_layout_passes=False),
        out_type=[
            jax.ShapeDtypeStruct((BG, 4 * _GROUP_SIZE), jnp.float32),
            jax.ShapeDtypeStruct((BG, _GROUP_SIZE), jnp.int32),
        ],
        mesh=mesh,
        scratch_types=[
            pltpu.VMEM((N,), jnp.float32),
            pltpu.VMEM((N,), jnp.float32),
            pltpu.VMEM((N,), jnp.float32),
            pltpu.VMEM((N,), jnp.float32),
            pltpu.VMEM((N,), jnp.int32),
            pltpu.VMEM((N,), jnp.int32),
            pltpu.VMEM((80,), jnp.int32),
            pltpu.VMEM((80,), jnp.int32),
            pltpu.VMEM((_GROUP_SIZE,), jnp.int32),
            pltpu.VMEM((4 * _GROUP_SIZE,), jnp.float32),
            pltpu.VMEM((_GROUP_SIZE,), jnp.int32),
            pltpu.VMEM((_RPW, 4), jnp.float32),
            pltpu.VMEM((8,), jnp.int32),
        ],
    )
    return f(planes, centers_flat, lengths_pad)


def kernel(points, lengths):
    B, N, C = points.shape
    points_t = points.transpose(0, 2, 1)
    valid = (jnp.arange(N)[None, :] < lengths[:, None]).astype(jnp.int32)
    valid = valid.reshape(B, 1, N)
    centers = _fps_centers(points_t, valid)
    lengths_pad = jnp.concatenate([lengths, jnp.zeros((4,), jnp.int32)])
    groups_flat, mask_flat = _sc_select(
        points_t, centers.reshape(B * _NUM_GROUPS, 4), lengths_pad)
    groups = groups_flat.reshape(B, _NUM_GROUPS, _GROUP_SIZE, 4)
    mask = mask_flat.reshape(B, _NUM_GROUPS, _GROUP_SIZE) != 0
    return groups, centers, mask

# --- scband reference (transcript-rebuilt; emitter-appended) ---
"""Pipeline reference for scband-pointcloud-grouping-39960375722107 (READ-ONLY COPY).

The authoritative reference and input builder live on the scoring server;
editing this copy changes nothing except your own understanding.
"""

import jax, jax.numpy as jnp
import numpy as np

NUM_GROUPS = 256
GROUP_SIZE = 32
GROUP_RADIUS = 0.2
UPSCALE_GROUP_SIZE = 64
ENERGIES_IDX = 3


def _fps_single(xyz, length, K):
    N = xyz.shape[0]
    valid = jnp.arange(N) < length
    sel = jnp.zeros((K,), dtype=jnp.int32)
    min_d = jnp.where(valid, jnp.inf, -jnp.inf)

    def step(i, carry):
        min_d, sel = carry
        last = xyz[sel[i - 1]]
        d = jnp.sum((xyz - last) ** 2, axis=-1)
        min_d = jnp.minimum(min_d, jnp.where(valid, d, -jnp.inf))
        nxt = jnp.argmax(min_d).astype(jnp.int32)
        return (min_d, sel.at[i].set(nxt))

    _, sel = jax.lax.fori_loop(1, K, step, (min_d, sel))
    sel = jnp.where(jnp.arange(K) < jnp.minimum(K, length), sel, -1)
    return sel


def sample_farthest_points(points, lengths, K):
    idx = jax.vmap(lambda p, l: _fps_single(p[:, :3], l, K))(points, lengths)
    safe = jnp.maximum(idx, 0)
    sampled = jax.vmap(lambda p, i: p[i])(points, safe)
    sampled = sampled * (idx[..., None] >= 0).astype(points.dtype)
    return sampled, idx


def ball_query(points, centers, lengths, radius, K):
    B, N, _ = points.shape
    d2 = jnp.sum((centers[:, :, None, :3] - points[:, None, :, :3]) ** 2, axis=-1)
    valid = jnp.arange(N)[None, None, :] < lengths[:, None, None]
    score = jnp.where((d2 <= radius * radius) & valid, -d2, -jnp.inf)
    vals, idx = jax.lax.top_k(score, K)
    idx = jnp.where(jnp.isinf(vals), -1, idx)
    return idx


def select_topk_by_energy(points, idx, K):
    B, G, Ko = idx.shape
    invalid = idx == -1
    idxc = jnp.maximum(idx, 0)
    e = jnp.broadcast_to(points[:, None, :, ENERGIES_IDX], (B, G, points.shape[1]))
    eg = jnp.take_along_axis(e, idxc, axis=2)
    eg = jnp.where(invalid, -jnp.inf, eg)
    tv, ti = jax.lax.top_k(eg, K)
    tidx = jnp.take_along_axis(idx, ti, axis=2)
    tidx = jnp.where(jnp.isinf(tv), -1, tidx)
    return tidx


def masked_gather(points, idx):
    idxc = jnp.maximum(idx, 0)
    return jax.vmap(lambda p, i: p[i])(points, idxc)


def setup_inputs(seed: int = 0):
    key = jax.random.key(seed)
    k1, k2 = jax.random.split(key)
    points = jax.random.uniform(k1, (4, 8192, 4), dtype=jnp.float32)
    lengths = jnp.array([8192, 8192, 7168, 6144], dtype=jnp.int32)
    return {"points": points, "lengths": lengths}


def reference(points, lengths):
    # FPS to pick group centers
    centers, _ = sample_farthest_points(points, lengths, NUM_GROUPS)
    # ball query within group_radius, up to upscale_group_size candidates
    idx = ball_query(points, centers, lengths, GROUP_RADIUS, UPSCALE_GROUP_SIZE)
    # reduce candidates to group_size by energy top-k (reduction_method='energy')
    idx = select_topk_by_energy(points, idx, GROUP_SIZE)
    point_mask = idx != -1
    groups = masked_gather(points, idx)
    rel = (groups[..., :3] - centers[:, :, None, :3]) / GROUP_RADIUS
    groups = jnp.concatenate([rel, groups[..., 3:]], axis=-1)
    groups = groups * point_mask[..., None].astype(points.dtype)
    return groups, centers, point_mask

if __name__ == "__main__":
    import jax
    _d = setup_inputs()
    print(jax.jit(kernel)(*tuple(_d.values())))

</pallas_src>

<mosaic_0001>
#map = affine_map<(d0, d1) -> (0, 0, 0)>
#map1 = affine_map<(d0, d1) -> (0, 0)>
#map2 = affine_map<(d0, d1) -> (0)>
module attributes {stable_mosaic.version = 14 : i64} {
  func.func @_select_kernel(%arg0: i32, %arg1: i32, %arg2: memref<4x4x8192xf32, #tpu.memory_space<hbm>>, %arg3: memref<1024x4xf32, #tpu.memory_space<hbm>>, %arg4: memref<8xi32, #tpu.memory_space<hbm>>, %arg5: memref<1024x128xf32, #tpu.memory_space<hbm>>, %arg6: memref<1024x32xi32, #tpu.memory_space<hbm>>, %arg7: memref<8192xf32, #tpu.memory_space<vmem>>, %arg8: memref<8192xf32, #tpu.memory_space<vmem>>, %arg9: memref<8192xf32, #tpu.memory_space<vmem>>, %arg10: memref<8192xf32, #tpu.memory_space<vmem>>, %arg11: memref<8192xi32, #tpu.memory_space<vmem>>, %arg12: memref<8192xi32, #tpu.memory_space<vmem>>, %arg13: memref<80xi32, #tpu.memory_space<vmem>>, %arg14: memref<80xi32, #tpu.memory_space<vmem>>, %arg15: memref<32xi32, #tpu.memory_space<vmem>>, %arg16: memref<128xf32, #tpu.memory_space<vmem>>, %arg17: memref<32xi32, #tpu.memory_space<vmem>>, %arg18: memref<32x4xf32, #tpu.memory_space<vmem>>, %arg19: memref<8xi32, #tpu.memory_space<vmem>>) attributes {dimension_semantics = [#tpu.dimension_semantics<core_parallel>, #tpu.dimension_semantics<subcore_parallel>], iteration_bounds = array<i64: 2, 16>, scalar_prefetch = 0 : i64, scratch_operands = 13 : i64, tpu.core_type = #tpu.core_type<sc_vector_subcore>, window_params = [{transform_indices = #map}, {transform_indices = #map1}, {transform_indices = #map2}, {transform_indices = #map1}, {transform_indices = #map1}]} {
    %mul3A = arith.constant 2 : i32
    %mul3A_0 = arith.muli %arg1, %mul3A : i32
    %add3A = arith.addi %mul3A_0, %arg0 : i32
    %jit3A = arith.constant 8 : i32
    %div3A = arith.divsi %add3A, %jit3A : i32
    %sign3A = arith.constant 0 : i32
    %sign3A_1 = arith.cmpi sgt, %add3A, %sign3A : i32
    %sign3A_2 = arith.extui %sign3A_1 : i1 to i32
    %sign3A_3 = arith.constant 0 : i32
    %sign3A_4 = arith.cmpi slt, %add3A, %sign3A_3 : i32
    %sign3A_5 = arith.extui %sign3A_4 : i1 to i32
    %sign3A_6 = arith.subi %sign3A_2, %sign3A_5 : i32
    %sign3A_7 = arith.constant 0 : i32
    %sign3A_8 = arith.cmpi sgt, %jit3A, %sign3A_7 : i32
    %sign3A_9 = arith.extui %sign3A_8 : i1 to i32
    %sign3A_10 = arith.constant 0 : i32
    %sign3A_11 = arith.cmpi slt, %jit3A, %sign3A_10 : i32
    %sign3A_12 = arith.extui %sign3A_11 : i1 to i32
    %sign3A_13 = arith.subi %sign3A_9, %sign3A_12 : i32
    %ne3A = arith.cmpi ne, %sign3A_6, %sign3A_13 : i32
    %rem3A = arith.remsi %add3A, %jit3A : i32
    %ne3A_14 = arith.constant 0 : i32
    %ne3A_15 = arith.cmpi ne, %rem3A, %ne3A_14 : i32
    %and3A = arith.andi %ne3A, %ne3A_15 : i1
    %sub3A = arith.constant 1 : i32
    %sub3A_16 = arith.subi %div3A, %sub3A : i32
    %select_n3A = arith.select %and3A, %sub3A_16, %div3A : i32
    %iota3A = tpu.iota {dimensions = array<i32: 0>} : vector<16xi32>
    %run_scoped3A = arith.constant 0 : i32
    "tpu.region"() ({
      %run_scoped3A_28 = tpu.sem_alloc : memref<!tpu.dma_semaphore, #tpu.memory_space<semaphore_mem>>
      %dma_start3A = arith.constant 0 : i32
      %dma_start3A_29 = tpu.memref_slice %arg2[%select_n3A, %run_scoped3A, %dma_start3A] : memref<4x4x8192xf32, #tpu.memory_space<hbm>> -> memref<1x1x8192xf32, #tpu.memory_space<hbm>>
      %dma_start3A_30 = tpu.memref_squeeze %dma_start3A_29 : memref<1x1x8192xf32, #tpu.memory_space<hbm>> -> memref<8192xf32, #tpu.memory_space<hbm>>
      %dma_start3A_31 = arith.constant 0 : i32
      %dma_start3A_32 = tpu.memref_slice %arg2[%select_n3A, %run_scoped3A, %dma_start3A_31] : memref<4x4x8192xf32, #tpu.memory_space<hbm>> -> memref<1x1x8192xf32, #tpu.memory_space<hbm>>
      %dma_start3A_33 = tpu.memref_squeeze %dma_start3A_32 : memref<1x1x8192xf32, #tpu.memory_space<hbm>> -> memref<8192xf32, #tpu.memory_space<hbm>>
      tpu.enqueue_dma source(%dma_start3A_33 : memref<8192xf32, #tpu.memory_space<hbm>>) target(%arg7 : memref<8192xf32, #tpu.memory_space<vmem>>) target_semaphore(%run_scoped3A_28 : memref<!tpu.dma_semaphore, #tpu.memory_space<semaphore_mem>>)
      %dma_wait3A = arith.constant 0 : i32
      %dma_wait3A_34 = tpu.memref_slice %arg2[%select_n3A, %run_scoped3A, %dma_wait3A] : memref<4x4x8192xf32, #tpu.memory_space<hbm>> -> memref<1x1x8192xf32, #tpu.memory_space<hbm>>
      %dma_wait3A_35 = tpu.memref_squeeze %dma_wait3A_34 : memref<1x1x8192xf32, #tpu.memory_space<hbm>> -> memref<8192xf32, #tpu.memory_space<hbm>>
      %dma_wait3A_36 = arith.constant 0 : i32
      %dma_wait3A_37 = tpu.memref_slice %arg2[%select_n3A, %run_scoped3A, %dma_wait3A_36] : memref<4x4x8192xf32, #tpu.memory_space<hbm>> -> memref<1x1x8192xf32, #tpu.memory_space<hbm>>
      %dma_wait3A_38 = tpu.memref_squeeze %dma_wait3A_37 : memref<1x1x8192xf32, #tpu.memory_space<hbm>> -> memref<8192xf32, #tpu.memory_space<hbm>>
      tpu.wait_dma2 semaphore(%run_scoped3A_28 : memref<!tpu.dma_semaphore, #tpu.memory_space<semaphore_mem>>) src(%dma_wait3A_38 : memref<8192xf32, #tpu.memory_space<hbm>>) dst(%arg7 : memref<8192xf32, #tpu.memory_space<vmem>>)
      tpu.yield
    }) : () -> ()
    %run_scoped3A_17 = arith.constant 1 : i32
    "tpu.region"() ({
      %run_scoped3A_28 = tpu.sem_alloc : memref<!tpu.dma_semaphore, #tpu.memory_space<semaphore_mem>>
      %dma_start3A = arith.constant 0 : i32
      %dma_start3A_29 = tpu.memref_slice %arg2[%select_n3A, %run_scoped3A_17, %dma_start3A] : memref<4x4x8192xf32, #tpu.memory_space<hbm>> -> memref<1x1x8192xf32, #tpu.memory_space<hbm>>
      %dma_start3A_30 = tpu.memref_squeeze %dma_start3A_29 : memref<1x1x8192xf32, #tpu.memory_space<hbm>> -> memref<8192xf32, #tpu.memory_space<hbm>>
      %dma_start3A_31 = arith.constant 0 : i32
      %dma_start3A_32 = tpu.memref_slice %arg2[%select_n3A, %run_scoped3A_17, %dma_start3A_31] : memref<4x4x8192xf32, #tpu.memory_space<hbm>> -> memref<1x1x8192xf32, #tpu.memory_space<hbm>>
      %dma_start3A_33 = tpu.memref_squeeze %dma_start3A_32 : memref<1x1x8192xf32, #tpu.memory_space<hbm>> -> memref<8192xf32, #tpu.memory_space<hbm>>
      tpu.enqueue_dma source(%dma_start3A_33 : memref<8192xf32, #tpu.memory_space<hbm>>) target(%arg8 : memref<8192xf32, #tpu.memory_space<vmem>>) target_semaphore(%run_scoped3A_28 : memref<!tpu.dma_semaphore, #tpu.memory_space<semaphore_mem>>)
      %dma_wait3A = arith.constant 0 : i32
      %dma_wait3A_34 = tpu.memref_slice %arg2[%select_n3A, %run_scoped3A_17, %dma_wait3A] : memref<4x4x8192xf32, #tpu.memory_space<hbm>> -> memref<1x1x8192xf32, #tpu.memory_space<hbm>>
      %dma_wait3A_35 = tpu.memref_squeeze %dma_wait3A_34 : memref<1x1x8192xf32, #tpu.memory_space<hbm>> -> memref<8192xf32, #tpu.memory_space<hbm>>
      %dma_wait3A_36 = arith.constant 0 : i32
      %dma_wait3A_37 = tpu.memref_slice %arg2[%select_n3A, %run_scoped3A_17, %dma_wait3A_36] : memref<4x4x8192xf32, #tpu.memory_space<hbm>> -> memref<1x1x8192xf32, #tpu.memory_space<hbm>>
      %dma_wait3A_38 = tpu.memref_squeeze %dma_wait3A_37 : memref<1x1x8192xf32, #tpu.memory_space<hbm>> -> memref<8192xf32, #tpu.memory_space<hbm>>
      tpu.wait_dma2 semaphore(%run_scoped3A_28 : memref<!tpu.dma_semaphore, #tpu.memory_space<semaphore_mem>>) src(%dma_wait3A_38 : memref<8192xf32, #tpu.memory_space<hbm>>) dst(%arg8 : memref<8192xf32, #tpu.memory_space<vmem>>)
      tpu.yield
    }) : () -> ()
    %run_scoped3A_18 = arith.constant 2 : i32
    "tpu.region"() ({
      %run_scoped3A_28 = tpu.sem_alloc : memref<!tpu.dma_semaphore, #tpu.memory_space<semaphore_mem>>
      %dma_start3A = arith.constant 0 : i32
      %dma_start3A_29 = tpu.memref_slice %arg2[%select_n3A, %run_scoped3A_18, %dma_start3A] : memref<4x4x8192xf32, #tpu.memory_space<hbm>> -> memref<1x1x8192xf32, #tpu.memory_space<hbm>>
      %dma_start3A_30 = tpu.memref_squeeze %dma_start3A_29 : memref<1x1x8192xf32, #tpu.memory_space<hbm>> -> memref<8192xf32, #tpu.memory_space<hbm>>
      %dma_start3A_31 = arith.constant 0 : i32
      %dma_start3A_32 = tpu.memref_slice %arg2[%select_n3A, %run_scoped3A_18, %dma_start3A_31] : memref<4x4x8192xf32, #tpu.memory_space<hbm>> -> memref<1x1x8192xf32, #tpu.memory_space<hbm>>
      %dma_start3A_33 = tpu.memref_squeeze %dma_start3A_32 : memref<1x1x8192xf32, #tpu.memory_space<hbm>> -> memref<8192xf32, #tpu.memory_space<hbm>>
      tpu.enqueue_dma source(%dma_start3A_33 : memref<8192xf32, #tpu.memory_space<hbm>>) target(%arg9 : memref<8192xf32, #tpu.memory_space<vmem>>) target_semaphore(%run_scoped3A_28 : memref<!tpu.dma_semaphore, #tpu.memory_space<semaphore_mem>>)
      %dma_wait3A = arith.constant 0 : i32
      %dma_wait3A_34 = tpu.memref_slice %arg2[%select_n3A, %run_scoped3A_18, %dma_wait3A] : memref<4x4x8192xf32, #tpu.memory_space<hbm>> -> memref<1x1x8192xf32, #tpu.memory_space<hbm>>
      %dma_wait3A_35 = tpu.memref_squeeze %dma_wait3A_34 : memref<1x1x8192xf32, #tpu.memory_space<hbm>> -> memref<8192xf32, #tpu.memory_space<hbm>>
      %dma_wait3A_36 = arith.constant 0 : i32
      %dma_wait3A_37 = tpu.memref_slice %arg2[%select_n3A, %run_scoped3A_18, %dma_wait3A_36] : memref<4x4x8192xf32, #tpu.memory_space<hbm>> -> memref<1x1x8192xf32, #tpu.memory_space<hbm>>
      %dma_wait3A_38 = tpu.memref_squeeze %dma_wait3A_37 : memref<1x1x8192xf32, #tpu.memory_space<hbm>> -> memref<8192xf32, #tpu.memory_space<hbm>>
      tpu.wait_dma2 semaphore(%run_scoped3A_28 : memref<!tpu.dma_semaphore, #tpu.memory_space<semaphore_mem>>) src(%dma_wait3A_38 : memref<8192xf32, #tpu.memory_space<hbm>>) dst(%arg9 : memref<8192xf32, #tpu.memory_space<vmem>>)
      tpu.yield
    }) : () -> ()
    %run_scoped3A_19 = arith.constant 3 : i32
    "tpu.region"() ({
      %run_scoped3A_28 = tpu.sem_alloc : memref<!tpu.dma_semaphore, #tpu.memory_space<semaphore_mem>>
      %dma_start3A = arith.constant 0 : i32
      %dma_start3A_29 = tpu.memref_slice %arg2[%select_n3A, %run_scoped3A_19, %dma_start3A] : memref<4x4x8192xf32, #tpu.memory_space<hbm>> -> memref<1x1x8192xf32, #tpu.memory_space<hbm>>
      %dma_start3A_30 = tpu.memref_squeeze %dma_start3A_29 : memref<1x1x8192xf32, #tpu.memory_space<hbm>> -> memref<8192xf32, #tpu.memory_space<hbm>>
      %dma_start3A_31 = arith.constant 0 : i32
      %dma_start3A_32 = tpu.memref_slice %arg2[%select_n3A, %run_scoped3A_19, %dma_start3A_31] : memref<4x4x8192xf32, #tpu.memory_space<hbm>> -> memref<1x1x8192xf32, #tpu.memory_space<hbm>>
      %dma_start3A_33 = tpu.memref_squeeze %dma_start3A_32 : memref<1x1x8192xf32, #tpu.memory_space<hbm>> -> memref<8192xf32, #tpu.memory_space<hbm>>
      tpu.enqueue_dma source(%dma_start3A_33 : memref<8192xf32, #tpu.memory_space<hbm>>) target(%arg10 : memref<8192xf32, #tpu.memory_space<vmem>>) target_semaphore(%run_scoped3A_28 : memref<!tpu.dma_semaphore, #tpu.memory_space<semaphore_mem>>)
      %dma_wait3A = arith.constant 0 : i32
      %dma_wait3A_34 = tpu.memref_slice %arg2[%select_n3A, %run_scoped3A_19, %dma_wait3A] : memref<4x4x8192xf32, #tpu.memory_space<hbm>> -> memref<1x1x8192xf32, #tpu.memory_space<hbm>>
      %dma_wait3A_35 = tpu.memref_squeeze %dma_wait3A_34 : memref<1x1x8192xf32, #tpu.memory_space<hbm>> -> memref<8192xf32, #tpu.memory_space<hbm>>
      %dma_wait3A_36 = arith.constant 0 : i32
      %dma_wait3A_37 = tpu.memref_slice %arg2[%select_n3A, %run_scoped3A_19, %dma_wait3A_36] : memref<4x4x8192xf32, #tpu.memory_space<hbm>> -> memref<1x1x8192xf32, #tpu.memory_space<hbm>>
      %dma_wait3A_38 = tpu.memref_squeeze %dma_wait3A_37 : memref<1x1x8192xf32, #tpu.memory_space<hbm>> -> memref<8192xf32, #tpu.memory_space<hbm>>
      tpu.wait_dma2 semaphore(%run_scoped3A_28 : memref<!tpu.dma_semaphore, #tpu.memory_space<semaphore_mem>>) src(%dma_wait3A_38 : memref<8192xf32, #tpu.memory_space<hbm>>) dst(%arg10 : memref<8192xf32, #tpu.memory_space<vmem>>)
      tpu.yield
    }) : () -> ()
    %mul3A_20 = arith.constant 32 : i32
    %mul3A_21 = arith.muli %add3A, %mul3A_20 : i32
    "tpu.region"() ({
      %run_scoped3A_28 = tpu.sem_alloc : memref<!tpu.dma_semaphore, #tpu.memory_space<semaphore_mem>>
      %dma_start3A = arith.constant 0 : i32
      %dma_start3A_29 = tpu.memref_slice %arg3[%mul3A_21, %dma_start3A] : memref<1024x4xf32, #tpu.memory_space<hbm>> -> memref<32x4xf32, #tpu.memory_space<hbm>>
      %dma_start3A_30 = arith.constant 0 : i32
      %dma_start3A_31 = tpu.memref_slice %arg3[%mul3A_21, %dma_start3A_30] : memref<1024x4xf32, #tpu.memory_space<hbm>> -> memref<32x4xf32, #tpu.memory_space<hbm>>
      tpu.enqueue_dma source(%dma_start3A_31 : memref<32x4xf32, #tpu.memory_space<hbm>>) target(%arg18 : memref<32x4xf32, #tpu.memory_space<vmem>>) target_semaphore(%run_scoped3A_28 : memref<!tpu.dma_semaphore, #tpu.memory_space<semaphore_mem>>)
      %dma_wait3A = arith.constant 0 : i32
      %dma_wait3A_32 = tpu.memref_slice %arg3[%mul3A_21, %dma_wait3A] : memref<1024x4xf32, #tpu.memory_space<hbm>> -> memref<32x4xf32, #tpu.memory_space<hbm>>
      %dma_wait3A_33 = arith.constant 0 : i32
      %dma_wait3A_34 = tpu.memref_slice %arg3[%mul3A_21, %dma_wait3A_33] : memref<1024x4xf32, #tpu.memory_space<hbm>> -> memref<32x4xf32, #tpu.memory_space<hbm>>
      tpu.wait_dma2 semaphore(%run_scoped3A_28 : memref<!tpu.dma_semaphore, #tpu.memory_space<semaphore_mem>>) src(%dma_wait3A_34 : memref<32x4xf32, #tpu.memory_space<hbm>>) dst(%arg18 : memref<32x4xf32, #tpu.memory_space<vmem>>)
      tpu.yield
    }) : () -> ()
    "tpu.region"() ({
      %run_scoped3A_28 = tpu.sem_alloc : memref<!tpu.dma_semaphore, #tpu.memory_space<semaphore_mem>>
      tpu.enqueue_dma source(%arg4 : memref<8xi32, #tpu.memory_space<hbm>>) target(%arg19 : memref<8xi32, #tpu.memory_space<vmem>>) target_semaphore(%run_scoped3A_28 : memref<!tpu.dma_semaphore, #tpu.memory_space<semaphore_mem>>)
      tpu.wait_dma2 semaphore(%run_scoped3A_28 : memref<!tpu.dma_semaphore, #tpu.memory_space<semaphore_mem>>) src(%arg4 : memref<8xi32, #tpu.memory_space<hbm>>) dst(%arg19 : memref<8xi32, #tpu.memory_space<vmem>>)
      tpu.yield
    }) : () -> ()
    %broadcast_in_dim3A = vector.broadcast %select_n3A : i32 to vector<16xi32>
    %gather3A = tpu.vector_load_idx %arg19[%broadcast_in_dim3A] : memref<8xi32, #tpu.memory_space<vmem>>[vector<16xi32>], vector<16xi32>,
    %scan3A = arith.constant 0 : i32
    %scan3A_22 = arith.constant 0 : i32
    %scan3A_23 = arith.constant 32 : i32
    %scan3A_24 = arith.addi %scan3A_22, %scan3A_23 : i32
    %scan3A_25 = arith.constant 1 : i32
    %scan3A_26 = scf.for %scan3A_28 = %scan3A_22 to %scan3A_24 step %scan3A_25 iter_args(%scan3A_29 = %scan3A) -> (i32)  : i32 {
      %mul3A_30 = arith.constant 32 : i32
      %mul3A_31 = arith.muli %add3A, %mul3A_30 : i32
      %add3A_32 = arith.addi %mul3A_31, %scan3A_28 : i32
      %broadcast_in_dim3A_33 = vector.broadcast %scan3A_28 : i32 to vector<16xi32>
      %broadcast_in_dim3A_34 = arith.constant 0 : i32
      %broadcast_in_dim3A_35 = vector.broadcast %broadcast_in_dim3A_34 : i32 to vector<16xi32>
      %gather3A_36 = tpu.vector_load_idx %arg18[%broadcast_in_dim3A_33, %broadcast_in_dim3A_35] : memref<32x4xf32, #tpu.memory_space<vmem>>[vector<16xi32>, vector<16xi32>], vector<16xf32>,
      %broadcast_in_dim3A_37 = vector.broadcast %scan3A_28 : i32 to vector<16xi32>
      %broadcast_in_dim3A_38 = arith.constant 1 : i32
      %broadcast_in_dim3A_39 = vector.broadcast %broadcast_in_dim3A_38 : i32 to vector<16xi32>
      %gather3A_40 = tpu.vector_load_idx %arg18[%broadcast_in_dim3A_37, %broadcast_in_dim3A_39] : memref<32x4xf32, #tpu.memory_space<vmem>>[vector<16xi32>, vector<16xi32>], vector<16xf32>,
      %broadcast_in_dim3A_41 = vector.broadcast %scan3A_28 : i32 to vector<16xi32>
      %broadcast_in_dim3A_42 = arith.constant 2 : i32
      %broadcast_in_dim3A_43 = vector.broadcast %broadcast_in_dim3A_42 : i32 to vector<16xi32>
      %gather3A_44 = tpu.vector_load_idx %arg18[%broadcast_in_dim3A_41, %broadcast_in_dim3A_43] : memref<32x4xf32, #tpu.memory_space<vmem>>[vector<16xi32>, vector<16xi32>], vector<16xf32>,
      %parallel_loop3A = arith.constant 0 : i32
      %parallel_loop3A_45 = arith.constant 512 : i32
      %parallel_loop3A_46 = arith.constant 1 : i32
      %parallel_loop3A_47 = arith.constant 0 : i32
      %parallel_loop3A_48 = scf.for %parallel_loop3A_301 = %parallel_loop3A to %parallel_loop3A_45 step %parallel_loop3A_46 iter_args(%parallel_loop3A_302 = %parallel_loop3A_47) -> (i32)  : i32 {
        %parallel_loop3A_303 = arith.constant 16 : i32
        %parallel_loop3A_304 = arith.muli %parallel_loop3A_301, %parallel_loop3A_303 : i32
        %parallel_loop3A_305 = arith.index_cast %parallel_loop3A_304 : i32 to index
        %parallel_loop3A_306 = tpu.vector_load %arg7[%parallel_loop3A_305] {strides = array<i32>} : memref<8192xf32, #tpu.memory_space<vmem>>, vector<16xf32>,
        %parallel_loop3A_307 = arith.subf %gather3A_36, %parallel_loop3A_306 : vector<16xf32>
        %parallel_loop3A_308 = arith.index_cast %parallel_loop3A_304 : i32 to index
        %parallel_loop3A_309 = tpu.vector_load %arg8[%parallel_loop3A_308] {strides = array<i32>} : memref<8192xf32, #tpu.memory_space<vmem>>, vector<16xf32>,
        %parallel_loop3A_310 = arith.subf %gather3A_40, %parallel_loop3A_309 : vector<16xf32>
        %parallel_loop3A_311 = arith.index_cast %parallel_loop3A_304 : i32 to index
        %parallel_loop3A_312 = tpu.vector_load %arg9[%parallel_loop3A_311] {strides = array<i32>} : memref<8192xf32, #tpu.memory_space<vmem>>, vector<16xf32>,
        %parallel_loop3A_313 = arith.subf %gather3A_44, %parallel_loop3A_312 : vector<16xf32>
        %parallel_loop3A_314 = arith.mulf %parallel_loop3A_307, %parallel_loop3A_307 : vector<16xf32>
        %parallel_loop3A_315 = arith.mulf %parallel_loop3A_310, %parallel_loop3A_310 : vector<16xf32>
        %parallel_loop3A_316 = arith.addf %parallel_loop3A_314, %parallel_loop3A_315 : vector<16xf32>
        %parallel_loop3A_317 = arith.mulf %parallel_loop3A_313, %parallel_loop3A_313 : vector<16xf32>
        %parallel_loop3A_318 = arith.addf %parallel_loop3A_316, %parallel_loop3A_317 : vector<16xf32>
        %parallel_loop3A_319 = arith.constant 16 : i32
        %parallel_loop3A_320 = arith.muli %parallel_loop3A_301, %parallel_loop3A_319 : i32
        %parallel_loop3A_321 = vector.broadcast %parallel_loop3A_320 : i32 to vector<16xi32>
        %parallel_loop3A_322 = arith.addi %parallel_loop3A_321, %iota3A : vector<16xi32>
        %parallel_loop3A_323 = arith.constant 4.000000e-02 : f32
        %parallel_loop3A_324 = vector.broadcast %parallel_loop3A_323 : f32 to vector<16xf32>
        %parallel_loop3A_325 = arith.cmpf ole, %parallel_loop3A_318, %parallel_loop3A_324 : vector<16xf32>
        %parallel_loop3A_326 = arith.cmpi slt, %parallel_loop3A_322, %gather3A : vector<16xi32>
        %parallel_loop3A_327 = arith.andi %parallel_loop3A_325, %parallel_loop3A_326 : vector<16xi1>
        %parallel_loop3A_328 = arith.extui %parallel_loop3A_327 : vector<16xi1> to vector<16xi32>
        %parallel_loop3A_329 = arith.constant true
        %parallel_loop3A_330 = vector.broadcast %parallel_loop3A_329 : i1 to vector<16xi1>
        %parallel_loop3A_331 = tpu.scan <sum>, %parallel_loop3A_328 masked %parallel_loop3A_330 : vector<16xi32>, vector<16xi1> -> vector<16xi32>
        %parallel_loop3A_332 = vector.broadcast %parallel_loop3A_302 : i32 to vector<16xi32>
        %parallel_loop3A_333 = arith.addi %parallel_loop3A_332, %parallel_loop3A_331 : vector<16xi32>
        %parallel_loop3A_334 = arith.subi %parallel_loop3A_333, %parallel_loop3A_328 : vector<16xi32>
        %parallel_loop3A_335 = vector.bitcast %parallel_loop3A_318 : vector<16xf32> to vector<16xi32>
        tpu.vector_store_idx %arg11[%parallel_loop3A_334], %parallel_loop3A_335 masked %parallel_loop3A_327 : memref<8192xi32, #tpu.memory_space<vmem>>[vector<16xi32>], vector<16xi32>, vector<16xi1>
        tpu.vector_store_idx %arg12[%parallel_loop3A_334], %parallel_loop3A_322 masked %parallel_loop3A_327 : memref<8192xi32, #tpu.memory_space<vmem>>[vector<16xi32>], vector<16xi32>, vector<16xi1>
        %parallel_loop3A_336 = vector.extract_strided_slice %parallel_loop3A_331 {offsets = [15], sizes = [1], strides = [1]} : vector<16xi32> to vector<1xi32>
        %parallel_loop3A_337 = vector.extract %parallel_loop3A_336[0] : i32 from vector<1xi32>
        %parallel_loop3A_338 = arith.addi %parallel_loop3A_302, %parallel_loop3A_337 : i32
        scf.yield %parallel_loop3A_338 : i32
      } {sc.loop_unroll_factor = 4 : i64, sc.parallel_access}
      %broadcast_in_dim3A_49 = vector.broadcast %parallel_loop3A_48 : i32 to vector<16xi32>
      %add3A_50 = arith.constant 15 : i32
      %add3A_51 = arith.addi %parallel_loop3A_48, %add3A_50 : i32
      %jit3A_52 = arith.constant 16 : i32
      %div3A_53 = arith.divsi %add3A_51, %jit3A_52 : i32
      %sign3A_54 = arith.constant 0 : i32
      %sign3A_55 = arith.cmpi sgt, %add3A_51, %sign3A_54 : i32
      %sign3A_56 = arith.extui %sign3A_55 : i1 to i32
      %sign3A_57 = arith.constant 0 : i32
      %sign3A_58 = arith.cmpi slt, %add3A_51, %sign3A_57 : i32
      %sign3A_59 = arith.extui %sign3A_58 : i1 to i32
      %sign3A_60 = arith.subi %sign3A_56, %sign3A_59 : i32
      %sign3A_61 = arith.constant 0 : i32
      %sign3A_62 = arith.cmpi sgt, %jit3A_52, %sign3A_61 : i32
      %sign3A_63 = arith.extui %sign3A_62 : i1 to i32
      %sign3A_64 = arith.constant 0 : i32
      %sign3A_65 = arith.cmpi slt, %jit3A_52, %sign3A_64 : i32
      %sign3A_66 = arith.extui %sign3A_65 : i1 to i32
      %sign3A_67 = arith.subi %sign3A_63, %sign3A_66 : i32
      %ne3A_68 = arith.cmpi ne, %sign3A_60, %sign3A_67 : i32
      %rem3A_69 = arith.remsi %add3A_51, %jit3A_52 : i32
      %ne3A_70 = arith.constant 0 : i32
      %ne3A_71 = arith.cmpi ne, %rem3A_69, %ne3A_70 : i32
      %and3A_72 = arith.andi %ne3A_68, %ne3A_71 : i1
      %sub3A_73 = arith.constant 1 : i32
      %sub3A_74 = arith.subi %div3A_53, %sub3A_73 : i32
      %select_n3A_75 = arith.select %and3A_72, %sub3A_74, %div3A_53 : i32
      %min3A = arith.constant 64 : i32
      %min3A_76 = arith.minsi %parallel_loop3A_48, %min3A : i32
      %scan3A_77 = arith.constant 0 : i32
      %scan3A_78 = arith.constant 1025758987 : i32
      %scan3A_79 = arith.constant 0 : i32
      %scan3A_80 = arith.constant 31 : i32
      %scan3A_81 = arith.addi %scan3A_79, %scan3A_80 : i32
      %scan3A_82 = arith.constant 1 : i32
      %scan3A_83:2 = scf.for %scan3A_301 = %scan3A_79 to %scan3A_81 step %scan3A_82 iter_args(%scan3A_302 = %scan3A_77, %scan3A_303 = %scan3A_78) -> (i32, i32)  : i32 {
        %add3A_304 = arith.addi %scan3A_302, %scan3A_303 : i32
        %jit3A_305 = arith.constant 2 : i32
        %div3A_306 = arith.divsi %add3A_304, %jit3A_305 : i32
        %sign3A_307 = arith.constant 0 : i32
        %sign3A_308 = arith.cmpi sgt, %add3A_304, %sign3A_307 : i32
        %sign3A_309 = arith.extui %sign3A_308 : i1 to i32
        %sign3A_310 = arith.constant 0 : i32
        %sign3A_311 = arith.cmpi slt, %add3A_304, %sign3A_310 : i32
        %sign3A_312 = arith.extui %sign3A_311 : i1 to i32
        %sign3A_313 = arith.subi %sign3A_309, %sign3A_312 : i32
        %sign3A_314 = arith.constant 0 : i32
        %sign3A_315 = arith.cmpi sgt, %jit3A_305, %sign3A_314 : i32
        %sign3A_316 = arith.extui %sign3A_315 : i1 to i32
        %sign3A_317 = arith.constant 0 : i32
        %sign3A_318 = arith.cmpi slt, %jit3A_305, %sign3A_317 : i32
        %sign3A_319 = arith.extui %sign3A_318 : i1 to i32
        %sign3A_320 = arith.subi %sign3A_316, %sign3A_319 : i32
        %ne3A_321 = arith.cmpi ne, %sign3A_313, %sign3A_320 : i32
        %rem3A_322 = arith.remsi %add3A_304, %jit3A_305 : i32
        %ne3A_323 = arith.constant 0 : i32
        %ne3A_324 = arith.cmpi ne, %rem3A_322, %ne3A_323 : i32
        %and3A_325 = arith.andi %ne3A_321, %ne3A_324 : i1
        %sub3A_326 = arith.constant 1 : i32
        %sub3A_327 = arith.subi %div3A_306, %sub3A_326 : i32
        %select_n3A_328 = arith.select %and3A_325, %sub3A_327, %div3A_306 : i32
        %broadcast_in_dim3A_329 = vector.broadcast %select_n3A_328 : i32 to vector<16xi32>
        %broadcast_in_dim3A_330 = arith.constant 0 : i32
        %broadcast_in_dim3A_331 = vector.broadcast %broadcast_in_dim3A_330 : i32 to vector<16xi32>
        %parallel_loop3A_332 = arith.constant 0 : i32
        %parallel_loop3A_333 = arith.constant 1 : i32
        %parallel_loop3A_334 = scf.for %parallel_loop3A_343 = %parallel_loop3A_332 to %select_n3A_75 step %parallel_loop3A_333 iter_args(%parallel_loop3A_344 = %broadcast_in_dim3A_331) -> (vector<16xi32>)  : i32 {
          %parallel_loop3A_345 = arith.constant 16 : i32
          %parallel_loop3A_346 = arith.muli %parallel_loop3A_343, %parallel_loop3A_345 : i32
          %parallel_loop3A_347 = arith.index_cast %parallel_loop3A_346 : i32 to index
          %parallel_loop3A_348 = tpu.vector_load %arg11[%parallel_loop3A_347] {strides = array<i32>} : memref<8192xi32, #tpu.memory_space<vmem>>, vector<16xi32>,
          %parallel_loop3A_349 = arith.constant 16 : i32
          %parallel_loop3A_350 = arith.muli %parallel_loop3A_343, %parallel_loop3A_349 : i32
          %parallel_loop3A_351 = vector.broadcast %parallel_loop3A_350 : i32 to vector<16xi32>
          %parallel_loop3A_352 = arith.addi %parallel_loop3A_351, %iota3A : vector<16xi32>
          %parallel_loop3A_353 = arith.cmpi slt, %parallel_loop3A_352, %broadcast_in_dim3A_49 : vector<16xi32>
          %parallel_loop3A_354 = arith.cmpi sle, %parallel_loop3A_348, %broadcast_in_dim3A_329 : vector<16xi32>
          %parallel_loop3A_355 = arith.andi %parallel_loop3A_354, %parallel_loop3A_353 : vector<16xi1>
          %parallel_loop3A_356 = arith.extui %parallel_loop3A_355 : vector<16xi1> to vector<16xi32>
          %parallel_loop3A_357 = arith.addi %parallel_loop3A_344, %parallel_loop3A_356 : vector<16xi32>
          scf.yield %parallel_loop3A_357 : vector<16xi32>
        } {sc.loop_unroll_factor = 4 : i64, sc.parallel_access}
        %reduce_sum3A_335 = arith.constant true
        %reduce_sum3A_336 = vector.broadcast %reduce_sum3A_335 : i1 to vector<16xi1>
        %reduce_sum3A_337 = tpu.scan <sum>, %parallel_loop3A_334 masked %reduce_sum3A_336 : vector<16xi32>, vector<16xi1> -> vector<16xi32>
        %reduce_sum3A_338 = vector.extract %reduce_sum3A_337[15] : i32 from vector<16xi32>
        %ge3A = arith.cmpi sge, %reduce_sum3A_338, %min3A_76 : i32
        %add3A_339 = arith.constant 1 : i32
        %add3A_340 = arith.addi %select_n3A_328, %add3A_339 : i32
        %select_n3A_341 = arith.select %ge3A, %scan3A_302, %add3A_340 : i32
        %select_n3A_342 = arith.select %ge3A, %select_n3A_328, %scan3A_303 : i32
        scf.yield %select_n3A_341, %select_n3A_342 : i32, i32
      }
      %scan3A_84 = arith.constant 31 : i32
      %broadcast_in_dim3A_85 = vector.broadcast %scan3A_83#0 : i32 to vector<16xi32>
      %sub3A_86 = arith.constant 1 : i32
      %sub3A_87 = arith.subi %scan3A_83#0, %sub3A_86 : i32
      %broadcast_in_dim3A_88 = vector.broadcast %sub3A_87 : i32 to vector<16xi32>
      %broadcast_in_dim3A_89 = arith.constant 0 : i32
      %broadcast_in_dim3A_90 = vector.broadcast %broadcast_in_dim3A_89 : i32 to vector<16xi32>
      %parallel_loop3A_91 = arith.constant 0 : i32
      %parallel_loop3A_92 = arith.constant 1 : i32
      %parallel_loop3A_93 = scf.for %parallel_loop3A_301 = %parallel_loop3A_91 to %select_n3A_75 step %parallel_loop3A_92 iter_args(%parallel_loop3A_302 = %broadcast_in_dim3A_90) -> (vector<16xi32>)  : i32 {
        %parallel_loop3A_303 = arith.constant 16 : i32
        %parallel_loop3A_304 = arith.muli %parallel_loop3A_301, %parallel_loop3A_303 : i32
        %parallel_loop3A_305 = arith.index_cast %parallel_loop3A_304 : i32 to index
        %parallel_loop3A_306 = tpu.vector_load %arg11[%parallel_loop3A_305] {strides = array<i32>} : memref<8192xi32, #tpu.memory_space<vmem>>, vector<16xi32>,
        %parallel_loop3A_307 = arith.constant 16 : i32
        %parallel_loop3A_308 = arith.muli %parallel_loop3A_301, %parallel_loop3A_307 : i32
        %parallel_loop3A_309 = vector.broadcast %parallel_loop3A_308 : i32 to vector<16xi32>
        %parallel_loop3A_310 = arith.addi %parallel_loop3A_309, %iota3A : vector<16xi32>
        %parallel_loop3A_311 = arith.cmpi slt, %parallel_loop3A_310, %broadcast_in_dim3A_49 : vector<16xi32>
        %parallel_loop3A_312 = arith.cmpi sle, %parallel_loop3A_306, %broadcast_in_dim3A_88 : vector<16xi32>
        %parallel_loop3A_313 = arith.andi %parallel_loop3A_312, %parallel_loop3A_311 : vector<16xi1>
        %parallel_loop3A_314 = arith.extui %parallel_loop3A_313 : vector<16xi1> to vector<16xi32>
        %parallel_loop3A_315 = arith.addi %parallel_loop3A_302, %parallel_loop3A_314 : vector<16xi32>
        scf.yield %parallel_loop3A_315 : vector<16xi32>
      } {sc.loop_unroll_factor = 4 : i64, sc.parallel_access}
      %reduce_sum3A = arith.constant true
      %reduce_sum3A_94 = vector.broadcast %reduce_sum3A : i1 to vector<16xi1>
      %reduce_sum3A_95 = tpu.scan <sum>, %parallel_loop3A_93 masked %reduce_sum3A_94 : vector<16xi32>, vector<16xi1> -> vector<16xi32>
      %reduce_sum3A_96 = vector.extract %reduce_sum3A_95[15] : i32 from vector<16xi32>
      %sub3A_97 = arith.subi %min3A_76, %reduce_sum3A_96 : i32
      %broadcast_in_dim3A_98 = vector.broadcast %sub3A_97 : i32 to vector<16xi32>
      %broadcast_in_dim3A_99 = arith.constant 2147483647 : i32
      %broadcast_in_dim3A_100 = vector.broadcast %broadcast_in_dim3A_99 : i32 to vector<16xi32>
      %swap3A = arith.constant 0 : index
      %swap3A_101 = tpu.vector_load %arg13[%swap3A] {strides = array<i32>} : memref<80xi32, #tpu.memory_space<vmem>>, vector<16xi32>,
      tpu.vector_store %arg13[%swap3A], %broadcast_in_dim3A_100 {strides = array<i32>} : memref<80xi32, #tpu.memory_space<vmem>>, vector<16xi32>,
      %broadcast_in_dim3A_102 = arith.constant 0 : i32
      %broadcast_in_dim3A_103 = vector.broadcast %broadcast_in_dim3A_102 : i32 to vector<16xi32>
      %swap3A_104 = arith.constant 0 : index
      %swap3A_105 = tpu.vector_load %arg14[%swap3A_104] {strides = array<i32>} : memref<80xi32, #tpu.memory_space<vmem>>, vector<16xi32>,
      tpu.vector_store %arg14[%swap3A_104], %broadcast_in_dim3A_103 {strides = array<i32>} : memref<80xi32, #tpu.memory_space<vmem>>, vector<16xi32>,
      %broadcast_in_dim3A_106 = arith.constant 2147483647 : i32
      %broadcast_in_dim3A_107 = vector.broadcast %broadcast_in_dim3A_106 : i32 to vector<16xi32>
      %swap3A_108 = arith.constant 16 : index
      %swap3A_109 = tpu.vector_load %arg13[%swap3A_108] {strides = array<i32>} : memref<80xi32, #tpu.memory_space<vmem>>, vector<16xi32>,
      tpu.vector_store %arg13[%swap3A_108], %broadcast_in_dim3A_107 {strides = array<i32>} : memref<80xi32, #tpu.memory_space<vmem>>, vector<16xi32>,
      %broadcast_in_dim3A_110 = arith.constant 0 : i32
      %broadcast_in_dim3A_111 = vector.broadcast %broadcast_in_dim3A_110 : i32 to vector<16xi32>
      %swap3A_112 = arith.constant 16 : index
      %swap3A_113 = tpu.vector_load %arg14[%swap3A_112] {strides = array<i32>} : memref<80xi32, #tpu.memory_space<vmem>>, vector<16xi32>,
      tpu.vector_store %arg14[%swap3A_112], %broadcast_in_dim3A_111 {strides = array<i32>} : memref<80xi32, #tpu.memory_space<vmem>>, vector<16xi32>,
      %broadcast_in_dim3A_114 = arith.constant 2147483647 : i32
      %broadcast_in_dim3A_115 = vector.broadcast %broadcast_in_dim3A_114 : i32 to vector<16xi32>
      %swap3A_116 = arith.constant 32 : index
      %swap3A_117 = tpu.vector_load %arg13[%swap3A_116] {strides = array<i32>} : memref<80xi32, #tpu.memory_space<vmem>>, vector<16xi32>,
      tpu.vector_store %arg13[%swap3A_116], %broadcast_in_dim3A_115 {strides = array<i32>} : memref<80xi32, #tpu.memory_space<vmem>>, vector<16xi32>,
      %broadcast_in_dim3A_118 = arith.constant 0 : i32
      %broadcast_in_dim3A_119 = vector.broadcast %broadcast_in_dim3A_118 : i32 to vector<16xi32>
      %swap3A_120 = arith.constant 32 : index
      %swap3A_121 = tpu.vector_load %arg14[%swap3A_120] {strides = array<i32>} : memref<80xi32, #tpu.memory_space<vmem>>, vector<16xi32>,
      tpu.vector_store %arg14[%swap3A_120], %broadcast_in_dim3A_119 {strides = array<i32>} : memref<80xi32, #tpu.memory_space<vmem>>, vector<16xi32>,
      %broadcast_in_dim3A_122 = arith.constant 2147483647 : i32
      %broadcast_in_dim3A_123 = vector.broadcast %broadcast_in_dim3A_122 : i32 to vector<16xi32>
      %swap3A_124 = arith.constant 48 : index
      %swap3A_125 = tpu.vector_load %arg13[%swap3A_124] {strides = array<i32>} : memref<80xi32, #tpu.memory_space<vmem>>, vector<16xi32>,
      tpu.vector_store %arg13[%swap3A_124], %broadcast_in_dim3A_123 {strides = array<i32>} : memref<80xi32, #tpu.memory_space<vmem>>, vector<16xi32>,
      %broadcast_in_dim3A_126 = arith.constant 0 : i32
      %broadcast_in_dim3A_127 = vector.broadcast %broadcast_in_dim3A_126 : i32 to vector<16xi32>
      %swap3A_128 = arith.constant 48 : index
      %swap3A_129 = tpu.vector_load %arg14[%swap3A_128] {strides = array<i32>} : memref<80xi32, #tpu.memory_space<vmem>>, vector<16xi32>,
      tpu.vector_store %arg14[%swap3A_128], %broadcast_in_dim3A_127 {strides = array<i32>} : memref<80xi32, #tpu.memory_space<vmem>>, vector<16xi32>,
      %broadcast_in_dim3A_130 = arith.constant 2147483647 : i32
      %broadcast_in_dim3A_131 = vector.broadcast %broadcast_in_dim3A_130 : i32 to vector<16xi32>
      %swap3A_132 = arith.constant 64 : index
      %swap3A_133 = tpu.vector_load %arg13[%swap3A_132] {strides = array<i32>} : memref<80xi32, #tpu.memory_space<vmem>>, vector<16xi32>,
      tpu.vector_store %arg13[%swap3A_132], %broadcast_in_dim3A_131 {strides = array<i32>} : memref<80xi32, #tpu.memory_space<vmem>>, vector<16xi32>,
      %broadcast_in_dim3A_134 = arith.constant 0 : i32
      %broadcast_in_dim3A_135 = vector.broadcast %broadcast_in_dim3A_134 : i32 to vector<16xi32>
      %swap3A_136 = arith.constant 64 : index
      %swap3A_137 = tpu.vector_load %arg14[%swap3A_136] {strides = array<i32>} : memref<80xi32, #tpu.memory_space<vmem>>, vector<16xi32>,
      tpu.vector_store %arg14[%swap3A_136], %broadcast_in_dim3A_135 {strides = array<i32>} : memref<80xi32, #tpu.memory_space<vmem>>, vector<16xi32>,
      %while3A = arith.constant 0 : i32
      %while3A_138 = arith.constant 0 : i32
      %while3A_139 = arith.constant 0 : i32
      %while3A_140 = arith.subi %select_n3A_75, %while3A : i32
      %while3A_141 = arith.addi %while3A, %while3A_140 : i32
      %while3A_142 = arith.constant 1 : i32
      %while3A_143 = arith.divsi %while3A_140, %while3A_142 : i32
      %while3A_144 = arith.muli %while3A_143, %while3A_142 : i32
      %while3A_145 = arith.addi %while3A, %while3A_144 : i32
      %while3A_146 = arith.constant 1 : i32
      %while3A_147:2 = scf.for %while3A_301 = %while3A to %while3A_145 step %while3A_146 iter_args(%while3A_302 = %while3A_138, %while3A_303 = %while3A_139) -> (i32, i32)  : i32 {
        %mul3A_304 = arith.constant 16 : i32
        %mul3A_305 = arith.muli %while3A_301, %mul3A_304 : i32
        %get3A_306 = arith.index_cast %mul3A_305 : i32 to index
        %get3A_307 = tpu.vector_load %arg11[%get3A_306] {strides = array<i32>} : memref<8192xi32, #tpu.memory_space<vmem>>, vector<16xi32>,
        %mul3A_308 = arith.constant 16 : i32
        %mul3A_309 = arith.muli %while3A_301, %mul3A_308 : i32
        %get3A_310 = arith.index_cast %mul3A_309 : i32 to index
        %get3A_311 = tpu.vector_load %arg12[%get3A_310] {strides = array<i32>} : memref<8192xi32, #tpu.memory_space<vmem>>, vector<16xi32>,
        %mul3A_312 = arith.constant 16 : i32
        %mul3A_313 = arith.muli %while3A_301, %mul3A_312 : i32
        %add3A_314 = vector.broadcast %mul3A_313 : i32 to vector<16xi32>
        %add3A_315 = arith.addi %add3A_314, %iota3A : vector<16xi32>
        %lt3A_316 = arith.cmpi slt, %add3A_315, %broadcast_in_dim3A_49 : vector<16xi32>
        %lt3A_317 = arith.cmpi slt, %get3A_307, %broadcast_in_dim3A_85 : vector<16xi32>
        %and3A_318 = arith.andi %lt3A_317, %lt3A_316 : vector<16xi1>
        %eq3A = arith.cmpi eq, %get3A_307, %broadcast_in_dim3A_85 : vector<16xi32>
        %and3A_319 = arith.andi %eq3A, %lt3A_316 : vector<16xi1>
        %convert_element_type3A_320 = arith.extui %and3A_319 : vector<16xi1> to vector<16xi32>
        %broadcast_in_dim3A_321 = vector.broadcast %while3A_303 : i32 to vector<16xi32>
        %broadcast_in_dim3A_322 = arith.constant true
        %broadcast_in_dim3A_323 = vector.broadcast %broadcast_in_dim3A_322 : i1 to vector<16xi1>
        %masked_cumsum3A = tpu.scan <sum>, %convert_element_type3A_320 masked %broadcast_in_dim3A_323 : vector<16xi32>, vector<16xi1> -> vector<16xi32>
        %add3A_324 = arith.addi %broadcast_in_dim3A_321, %masked_cumsum3A : vector<16xi32>
        %sub3A_325 = arith.subi %add3A_324, %convert_element_type3A_320 : vector<16xi32>
        %lt3A_326 = arith.cmpi slt, %sub3A_325, %broadcast_in_dim3A_98 : vector<16xi32>
        %and3A_327 = arith.andi %and3A_319, %lt3A_326 : vector<16xi1>
        %or3A = arith.ori %and3A_318, %and3A_327 : vector<16xi1>
        %convert_element_type3A_328 = arith.extui %or3A : vector<16xi1> to vector<16xi32>
        %broadcast_in_dim3A_329 = vector.broadcast %while3A_302 : i32 to vector<16xi32>
        %broadcast_in_dim3A_330 = arith.constant true
        %broadcast_in_dim3A_331 = vector.broadcast %broadcast_in_dim3A_330 : i1 to vector<16xi1>
        %masked_cumsum3A_332 = tpu.scan <sum>, %convert_element_type3A_328 masked %broadcast_in_dim3A_331 : vector<16xi32>, vector<16xi1> -> vector<16xi32>
        %add3A_333 = arith.addi %broadcast_in_dim3A_329, %masked_cumsum3A_332 : vector<16xi32>
        %sub3A_334 = arith.subi %add3A_333, %convert_element_type3A_328 : vector<16xi32>
        tpu.vector_store_idx %arg13[%sub3A_334], %get3A_307 masked %or3A : memref<80xi32, #tpu.memory_space<vmem>>[vector<16xi32>], vector<16xi32>, vector<16xi1>
        tpu.vector_store_idx %arg14[%sub3A_334], %get3A_311 masked %or3A : memref<80xi32, #tpu.memory_space<vmem>>[vector<16xi32>], vector<16xi32>, vector<16xi1>
        %reduce_sum3A_335 = arith.constant true
        %reduce_sum3A_336 = vector.broadcast %reduce_sum3A_335 : i1 to vector<16xi1>
        %reduce_sum3A_337 = tpu.scan <sum>, %convert_element_type3A_328 masked %reduce_sum3A_336 : vector<16xi32>, vector<16xi1> -> vector<16xi32>
        %reduce_sum3A_338 = vector.extract %reduce_sum3A_337[15] : i32 from vector<16xi32>
        %add3A_339 = arith.addi %while3A_302, %reduce_sum3A_338 : i32
        %reduce_sum3A_340 = arith.constant true
        %reduce_sum3A_341 = vector.broadcast %reduce_sum3A_340 : i1 to vector<16xi1>
        %reduce_sum3A_342 = tpu.scan <sum>, %convert_element_type3A_320 masked %reduce_sum3A_341 : vector<16xi32>, vector<16xi1> -> vector<16xi32>
        %reduce_sum3A_343 = vector.extract %reduce_sum3A_342[15] : i32 from vector<16xi32>
        %add3A_344 = arith.addi %while3A_303, %reduce_sum3A_343 : i32
        scf.yield %add3A_339, %add3A_344 : i32, i32
      }
      %while3A_148 = arith.constant 1 : i32
      %while3A_149:2 = scf.for %while3A_301 = %while3A_145 to %while3A_141 step %while3A_148 iter_args(%while3A_302 = %while3A_147#0, %while3A_303 = %while3A_147#1) -> (i32, i32)  : i32 {
        %mul3A_304 = arith.constant 16 : i32
        %mul3A_305 = arith.muli %while3A_301, %mul3A_304 : i32
        %get3A_306 = arith.index_cast %mul3A_305 : i32 to index
        %get3A_307 = tpu.vector_load %arg11[%get3A_306] {strides = array<i32>} : memref<8192xi32, #tpu.memory_space<vmem>>, vector<16xi32>,
        %mul3A_308 = arith.constant 16 : i32
        %mul3A_309 = arith.muli %while3A_301, %mul3A_308 : i32
        %get3A_310 = arith.index_cast %mul3A_309 : i32 to index
        %get3A_311 = tpu.vector_load %arg12[%get3A_310] {strides = array<i32>} : memref<8192xi32, #tpu.memory_space<vmem>>, vector<16xi32>,
        %mul3A_312 = arith.constant 16 : i32
        %mul3A_313 = arith.muli %while3A_301, %mul3A_312 : i32
        %add3A_314 = vector.broadcast %mul3A_313 : i32 to vector<16xi32>
        %add3A_315 = arith.addi %add3A_314, %iota3A : vector<16xi32>
        %lt3A_316 = arith.cmpi slt, %add3A_315, %broadcast_in_dim3A_49 : vector<16xi32>
        %lt3A_317 = arith.cmpi slt, %get3A_307, %broadcast_in_dim3A_85 : vector<16xi32>
        %and3A_318 = arith.andi %lt3A_317, %lt3A_316 : vector<16xi1>
        %eq3A = arith.cmpi eq, %get3A_307, %broadcast_in_dim3A_85 : vector<16xi32>
        %and3A_319 = arith.andi %eq3A, %lt3A_316 : vector<16xi1>
        %convert_element_type3A_320 = arith.extui %and3A_319 : vector<16xi1> to vector<16xi32>
        %broadcast_in_dim3A_321 = vector.broadcast %while3A_303 : i32 to vector<16xi32>
        %broadcast_in_dim3A_322 = arith.constant true
        %broadcast_in_dim3A_323 = vector.broadcast %broadcast_in_dim3A_322 : i1 to vector<16xi1>
        %masked_cumsum3A = tpu.scan <sum>, %convert_element_type3A_320 masked %broadcast_in_dim3A_323 : vector<16xi32>, vector<16xi1> -> vector<16xi32>
        %add3A_324 = arith.addi %broadcast_in_dim3A_321, %masked_cumsum3A : vector<16xi32>
        %sub3A_325 = arith.subi %add3A_324, %convert_element_type3A_320 : vector<16xi32>
        %lt3A_326 = arith.cmpi slt, %sub3A_325, %broadcast_in_dim3A_98 : vector<16xi32>
        %and3A_327 = arith.andi %and3A_319, %lt3A_326 : vector<16xi1>
        %or3A = arith.ori %and3A_318, %and3A_327 : vector<16xi1>
        %convert_element_type3A_328 = arith.extui %or3A : vector<16xi1> to vector<16xi32>
        %broadcast_in_dim3A_329 = vector.broadcast %while3A_302 : i32 to vector<16xi32>
        %broadcast_in_dim3A_330 = arith.constant true
        %broadcast_in_dim3A_331 = vector.broadcast %broadcast_in_dim3A_330 : i1 to vector<16xi1>
        %masked_cumsum3A_332 = tpu.scan <sum>, %convert_element_type3A_328 masked %broadcast_in_dim3A_331 : vector<16xi32>, vector<16xi1> -> vector<16xi32>
        %add3A_333 = arith.addi %broadcast_in_dim3A_329, %masked_cumsum3A_332 : vector<16xi32>
        %sub3A_334 = arith.subi %add3A_333, %convert_element_type3A_328 : vector<16xi32>
        tpu.vector_store_idx %arg13[%sub3A_334], %get3A_307 masked %or3A : memref<80xi32, #tpu.memory_space<vmem>>[vector<16xi32>], vector<16xi32>, vector<16xi1>
        tpu.vector_store_idx %arg14[%sub3A_334], %get3A_311 masked %or3A : memref<80xi32, #tpu.memory_space<vmem>>[vector<16xi32>], vector<16xi32>, vector<16xi1>
        %reduce_sum3A_335 = arith.constant true
        %reduce_sum3A_336 = vector.broadcast %reduce_sum3A_335 : i1 to vector<16xi1>
        %reduce_sum3A_337 = tpu.scan <sum>, %convert_element_type3A_328 masked %reduce_sum3A_336 : vector<16xi32>, vector<16xi1> -> vector<16xi32>
        %reduce_sum3A_338 = vector.extract %reduce_sum3A_337[15] : i32 from vector<16xi32>
        %add3A_339 = arith.addi %while3A_302, %reduce_sum3A_338 : i32
        %reduce_sum3A_340 = arith.constant true
        %reduce_sum3A_341 = vector.broadcast %reduce_sum3A_340 : i1 to vector<16xi1>
        %reduce_sum3A_342 = tpu.scan <sum>, %convert_element_type3A_320 masked %reduce_sum3A_341 : vector<16xi32>, vector<16xi1> -> vector<16xi32>
        %reduce_sum3A_343 = vector.extract %reduce_sum3A_342[15] : i32 from vector<16xi32>
        %add3A_344 = arith.addi %while3A_303, %reduce_sum3A_343 : i32
        scf.yield %add3A_339, %add3A_344 : i32, i32
      }
      %broadcast_in_dim3A_150 = vector.broadcast %min3A_76 : i32 to vector<16xi32>
      %add3A_151 = arith.constant 0 : i32
      %add3A_152 = vector.broadcast %add3A_151 : i32 to vector<16xi32>
      %add3A_153 = arith.addi %add3A_152, %iota3A : vector<16xi32>
      %lt3A = arith.cmpi slt, %add3A_153, %broadcast_in_dim3A_150 : vector<16xi32>
      %get3A = arith.constant 0 : index
      %get3A_154 = tpu.vector_load %arg14[%get3A] {strides = array<i32>} : memref<80xi32, #tpu.memory_space<vmem>>, vector<16xi32>,
      %gather3A_155 = tpu.vector_load_idx %arg10[%get3A_154] : memref<8192xf32, #tpu.memory_space<vmem>>[vector<16xi32>], vector<16xf32>,
      %bitcast3A = vector.bitcast %gather3A_155 : vector<16xf32> to vector<16xi32>
      %broadcast_in_dim3A_156 = arith.constant -1 : i32
      %broadcast_in_dim3A_157 = vector.broadcast %broadcast_in_dim3A_156 : i32 to vector<16xi32>
      %select_n3A_158 = arith.select %lt3A, %bitcast3A, %broadcast_in_dim3A_157 : vector<16xi1>, vector<16xi32>
      %get3A_159 = arith.constant 0 : index
      %get3A_160 = tpu.vector_load %arg13[%get3A_159] {strides = array<i32>} : memref<80xi32, #tpu.memory_space<vmem>>, vector<16xi32>,
      %add3A_161 = arith.constant 16 : i32
      %add3A_162 = vector.broadcast %add3A_161 : i32 to vector<16xi32>
      %add3A_163 = arith.addi %add3A_162, %iota3A : vector<16xi32>
      %lt3A_164 = arith.cmpi slt, %add3A_163, %broadcast_in_dim3A_150 : vector<16xi32>
      %get3A_165 = arith.constant 16 : index
      %get3A_166 = tpu.vector_load %arg14[%get3A_165] {strides = array<i32>} : memref<80xi32, #tpu.memory_space<vmem>>, vector<16xi32>,
      %gather3A_167 = tpu.vector_load_idx %arg10[%get3A_166] : memref<8192xf32, #tpu.memory_space<vmem>>[vector<16xi32>], vector<16xf32>,
      %bitcast3A_168 = vector.bitcast %gather3A_167 : vector<16xf32> to vector<16xi32>
      %broadcast_in_dim3A_169 = arith.constant -1 : i32
      %broadcast_in_dim3A_170 = vector.broadcast %broadcast_in_dim3A_169 : i32 to vector<16xi32>
      %select_n3A_171 = arith.select %lt3A_164, %bitcast3A_168, %broadcast_in_dim3A_170 : vector<16xi1>, vector<16xi32>
      %get3A_172 = arith.constant 16 : index
      %get3A_173 = tpu.vector_load %arg13[%get3A_172] {strides = array<i32>} : memref<80xi32, #tpu.memory_space<vmem>>, vector<16xi32>,
      %add3A_174 = arith.constant 32 : i32
      %add3A_175 = vector.broadcast %add3A_174 : i32 to vector<16xi32>
      %add3A_176 = arith.addi %add3A_175, %iota3A : vector<16xi32>
      %lt3A_177 = arith.cmpi slt, %add3A_176, %broadcast_in_dim3A_150 : vector<16xi32>
      %get3A_178 = arith.constant 32 : index
      %get3A_179 = tpu.vector_load %arg14[%get3A_178] {strides = array<i32>} : memref<80xi32, #tpu.memory_space<vmem>>, vector<16xi32>,
      %gather3A_180 = tpu.vector_load_idx %arg10[%get3A_179] : memref<8192xf32, #tpu.memory_space<vmem>>[vector<16xi32>], vector<16xf32>,
      %bitcast3A_181 = vector.bitcast %gather3A_180 : vector<16xf32> to vector<16xi32>
      %broadcast_in_dim3A_182 = arith.constant -1 : i32
      %broadcast_in_dim3A_183 = vector.broadcast %broadcast_in_dim3A_182 : i32 to vector<16xi32>
      %select_n3A_184 = arith.select %lt3A_177, %bitcast3A_181, %broadcast_in_dim3A_183 : vector<16xi1>, vector<16xi32>
      %get3A_185 = arith.constant 32 : index
      %get3A_186 = tpu.vector_load %arg13[%get3A_185] {strides = array<i32>} : memref<80xi32, #tpu.memory_space<vmem>>, vector<16xi32>,
      %add3A_187 = arith.constant 48 : i32
      %add3A_188 = vector.broadcast %add3A_187 : i32 to vector<16xi32>
      %add3A_189 = arith.addi %add3A_188, %iota3A : vector<16xi32>
      %lt3A_190 = arith.cmpi slt, %add3A_189, %broadcast_in_dim3A_150 : vector<16xi32>
      %get3A_191 = arith.constant 48 : index
      %get3A_192 = tpu.vector_load %arg14[%get3A_191] {strides = array<i32>} : memref<80xi32, #tpu.memory_space<vmem>>, vector<16xi32>,
      %gather3A_193 = tpu.vector_load_idx %arg10[%get3A_192] : memref<8192xf32, #tpu.memory_space<vmem>>[vector<16xi32>], vector<16xf32>,
      %bitcast3A_194 = vector.bitcast %gather3A_193 : vector<16xf32> to vector<16xi32>
      %broadcast_in_dim3A_195 = arith.constant -1 : i32
      %broadcast_in_dim3A_196 = vector.broadcast %broadcast_in_dim3A_195 : i32 to vector<16xi32>
      %select_n3A_197 = arith.select %lt3A_190, %bitcast3A_194, %broadcast_in_dim3A_196 : vector<16xi1>, vector<16xi32>
      %get3A_198 = arith.constant 48 : index
      %get3A_199 = tpu.vector_load %arg13[%get3A_198] {strides = array<i32>} : memref<80xi32, #tpu.memory_space<vmem>>, vector<16xi32>,
      %scan3A_200 = arith.constant 0 : i32
      %scan3A_201 = arith.constant 32 : i32
      %scan3A_202 = arith.addi %scan3A_200, %scan3A_201 : i32
      %scan3A_203 = arith.constant 1 : i32
      %scan3A_204:4 = scf.for %scan3A_301 = %scan3A_200 to %scan3A_202 step %scan3A_203 iter_args(%scan3A_302 = %select_n3A_158, %scan3A_303 = %select_n3A_171, %scan3A_304 = %select_n3A_184, %scan3A_305 = %select_n3A_197) -> (vector<16xi32>, vector<16xi32>, vector<16xi32>, vector<16xi32>)  : i32 {
        %max3A = arith.maxsi %scan3A_302, %scan3A_303 : vector<16xi32>
        %max3A_306 = arith.maxsi %scan3A_304, %scan3A_305 : vector<16xi32>
        %max3A_307 = arith.maxsi %max3A, %max3A_306 : vector<16xi32>
        %reduce_max3A = arith.constant true
        %reduce_max3A_308 = vector.broadcast %reduce_max3A : i1 to vector<16xi1>
        %reduce_max3A_309 = arith.constant -2147483648 : i32
        %reduce_max3A_310 = vector.broadcast %reduce_max3A_309 : i32 to vector<16xi32>
        %reduce_max3A_311 = arith.xori %max3A_307, %reduce_max3A_310 : vector<16xi32>
        %reduce_max3A_312 = tpu.scan <max>, %reduce_max3A_311 masked %reduce_max3A_308 : vector<16xi32>, vector<16xi1> -> vector<16xi32>
        %reduce_max3A_313 = arith.xori %reduce_max3A_312, %reduce_max3A_310 : vector<16xi32>
        %reduce_max3A_314 = vector.extract %reduce_max3A_313[15] : i32 from vector<16xi32>
        %broadcast_in_dim3A_315 = vector.broadcast %reduce_max3A_314 : i32 to vector<16xi32>
        %eq3A = arith.cmpi eq, %scan3A_302, %broadcast_in_dim3A_315 : vector<16xi32>
        %eq3A_316 = arith.cmpi eq, %scan3A_303, %broadcast_in_dim3A_315 : vector<16xi32>
        %eq3A_317 = arith.cmpi eq, %scan3A_304, %broadcast_in_dim3A_315 : vector<16xi32>
        %eq3A_318 = arith.cmpi eq, %scan3A_305, %broadcast_in_dim3A_315 : vector<16xi32>
        %broadcast_in_dim3A_319 = arith.constant 2147483647 : i32
        %broadcast_in_dim3A_320 = vector.broadcast %broadcast_in_dim3A_319 : i32 to vector<16xi32>
        %select_n3A_321 = arith.select %eq3A, %get3A_160, %broadcast_in_dim3A_320 : vector<16xi1>, vector<16xi32>
        %broadcast_in_dim3A_322 = arith.constant 2147483647 : i32
        %broadcast_in_dim3A_323 = vector.broadcast %broadcast_in_dim3A_322 : i32 to vector<16xi32>
        %select_n3A_324 = arith.select %eq3A_316, %get3A_173, %broadcast_in_dim3A_323 : vector<16xi1>, vector<16xi32>
        %broadcast_in_dim3A_325 = arith.constant 2147483647 : i32
        %broadcast_in_dim3A_326 = vector.broadcast %broadcast_in_dim3A_325 : i32 to vector<16xi32>
        %select_n3A_327 = arith.select %eq3A_317, %get3A_186, %broadcast_in_dim3A_326 : vector<16xi1>, vector<16xi32>
        %broadcast_in_dim3A_328 = arith.constant 2147483647 : i32
        %broadcast_in_dim3A_329 = vector.broadcast %broadcast_in_dim3A_328 : i32 to vector<16xi32>
        %select_n3A_330 = arith.select %eq3A_318, %get3A_199, %broadcast_in_dim3A_329 : vector<16xi1>, vector<16xi32>
        %min3A_331 = arith.minsi %select_n3A_321, %select_n3A_324 : vector<16xi32>
        %min3A_332 = arith.minsi %select_n3A_327, %select_n3A_330 : vector<16xi32>
        %min3A_333 = arith.minsi %min3A_331, %min3A_332 : vector<16xi32>
        %reduce_min3A = arith.constant true
        %reduce_min3A_334 = vector.broadcast %reduce_min3A : i1 to vector<16xi1>
        %reduce_min3A_335 = arith.constant -2147483648 : i32
        %reduce_min3A_336 = vector.broadcast %reduce_min3A_335 : i32 to vector<16xi32>
        %reduce_min3A_337 = arith.xori %min3A_333, %reduce_min3A_336 : vector<16xi32>
        %reduce_min3A_338 = tpu.scan <min>, %reduce_min3A_337 masked %reduce_min3A_334 : vector<16xi32>, vector<16xi1> -> vector<16xi32>
        %reduce_min3A_339 = arith.xori %reduce_min3A_338, %reduce_min3A_336 : vector<16xi32>
        %reduce_min3A_340 = vector.extract %reduce_min3A_339[15] : i32 from vector<16xi32>
        %broadcast_in_dim3A_341 = vector.broadcast %reduce_min3A_340 : i32 to vector<16xi32>
        %eq3A_342 = arith.cmpi eq, %get3A_160, %broadcast_in_dim3A_341 : vector<16xi32>
        %and3A_343 = arith.andi %eq3A, %eq3A_342 : vector<16xi1>
        %eq3A_344 = arith.cmpi eq, %get3A_173, %broadcast_in_dim3A_341 : vector<16xi32>
        %and3A_345 = arith.andi %eq3A_316, %eq3A_344 : vector<16xi1>
        %eq3A_346 = arith.cmpi eq, %get3A_186, %broadcast_in_dim3A_341 : vector<16xi32>
        %and3A_347 = arith.andi %eq3A_317, %eq3A_346 : vector<16xi1>
        %eq3A_348 = arith.cmpi eq, %get3A_199, %broadcast_in_dim3A_341 : vector<16xi32>
        %and3A_349 = arith.andi %eq3A_318, %eq3A_348 : vector<16xi1>
        %broadcast_in_dim3A_350 = arith.constant 2147483647 : i32
        %broadcast_in_dim3A_351 = vector.broadcast %broadcast_in_dim3A_350 : i32 to vector<16xi32>
        %select_n3A_352 = arith.select %and3A_343, %get3A_154, %broadcast_in_dim3A_351 : vector<16xi1>, vector<16xi32>
        %broadcast_in_dim3A_353 = arith.constant 2147483647 : i32
        %broadcast_in_dim3A_354 = vector.broadcast %broadcast_in_dim3A_353 : i32 to vector<16xi32>
        %select_n3A_355 = arith.select %and3A_345, %get3A_166, %broadcast_in_dim3A_354 : vector<16xi1>, vector<16xi32>
        %broadcast_in_dim3A_356 = arith.constant 2147483647 : i32
        %broadcast_in_dim3A_357 = vector.broadcast %broadcast_in_dim3A_356 : i32 to vector<16xi32>
        %select_n3A_358 = arith.select %and3A_347, %get3A_179, %broadcast_in_dim3A_357 : vector<16xi1>, vector<16xi32>
        %broadcast_in_dim3A_359 = arith.constant 2147483647 : i32
        %broadcast_in_dim3A_360 = vector.broadcast %broadcast_in_dim3A_359 : i32 to vector<16xi32>
        %select_n3A_361 = arith.select %and3A_349, %get3A_192, %broadcast_in_dim3A_360 : vector<16xi1>, vector<16xi32>
        %min3A_362 = arith.minsi %select_n3A_352, %select_n3A_355 : vector<16xi32>
        %min3A_363 = arith.minsi %select_n3A_358, %select_n3A_361 : vector<16xi32>
        %min3A_364 = arith.minsi %min3A_362, %min3A_363 : vector<16xi32>
        %reduce_min3A_365 = arith.constant true
        %reduce_min3A_366 = vector.broadcast %reduce_min3A_365 : i1 to vector<16xi1>
        %reduce_min3A_367 = arith.constant -2147483648 : i32
        %reduce_min3A_368 = vector.broadcast %reduce_min3A_367 : i32 to vector<16xi32>
        %reduce_min3A_369 = arith.xori %min3A_364, %reduce_min3A_368 : vector<16xi32>
        %reduce_min3A_370 = tpu.scan <min>, %reduce_min3A_369 masked %reduce_min3A_366 : vector<16xi32>, vector<16xi1> -> vector<16xi32>
        %reduce_min3A_371 = arith.xori %reduce_min3A_370, %reduce_min3A_368 : vector<16xi32>
        %reduce_min3A_372 = vector.extract %reduce_min3A_371[15] : i32 from vector<16xi32>
        %broadcast_in_dim3A_373 = vector.broadcast %reduce_min3A_372 : i32 to vector<16xi32>
        %eq3A_374 = arith.cmpi eq, %get3A_154, %broadcast_in_dim3A_373 : vector<16xi32>
        %and3A_375 = arith.andi %and3A_343, %eq3A_374 : vector<16xi1>
        %eq3A_376 = arith.cmpi eq, %get3A_166, %broadcast_in_dim3A_373 : vector<16xi32>
        %and3A_377 = arith.andi %and3A_345, %eq3A_376 : vector<16xi1>
        %eq3A_378 = arith.cmpi eq, %get3A_179, %broadcast_in_dim3A_373 : vector<16xi32>
        %and3A_379 = arith.andi %and3A_347, %eq3A_378 : vector<16xi1>
        %eq3A_380 = arith.cmpi eq, %get3A_192, %broadcast_in_dim3A_373 : vector<16xi32>
        %and3A_381 = arith.andi %and3A_349, %eq3A_380 : vector<16xi1>
        %broadcast_in_dim3A_382 = arith.constant -1 : i32
        %broadcast_in_dim3A_383 = vector.broadcast %broadcast_in_dim3A_382 : i32 to vector<16xi32>
        %select_n3A_384 = arith.select %and3A_375, %broadcast_in_dim3A_383, %scan3A_302 : vector<16xi1>, vector<16xi32>
        %broadcast_in_dim3A_385 = arith.constant -1 : i32
        %broadcast_in_dim3A_386 = vector.broadcast %broadcast_in_dim3A_385 : i32 to vector<16xi32>
        %select_n3A_387 = arith.select %and3A_377, %broadcast_in_dim3A_386, %scan3A_303 : vector<16xi1>, vector<16xi32>
        %broadcast_in_dim3A_388 = arith.constant -1 : i32
        %broadcast_in_dim3A_389 = vector.broadcast %broadcast_in_dim3A_388 : i32 to vector<16xi32>
        %select_n3A_390 = arith.select %and3A_379, %broadcast_in_dim3A_389, %scan3A_304 : vector<16xi1>, vector<16xi32>
        %broadcast_in_dim3A_391 = arith.constant -1 : i32
        %broadcast_in_dim3A_392 = vector.broadcast %broadcast_in_dim3A_391 : i32 to vector<16xi32>
        %select_n3A_393 = arith.select %and3A_381, %broadcast_in_dim3A_392, %scan3A_305 : vector<16xi1>, vector<16xi32>
        %broadcast_in_dim3A_394 = vector.broadcast %scan3A_301 : i32 to vector<16xi32>
        %eq3A_395 = arith.constant 0 : i32
        %eq3A_396 = vector.broadcast %eq3A_395 : i32 to vector<16xi32>
        %eq3A_397 = arith.cmpi eq, %iota3A, %eq3A_396 : vector<16xi32>
        tpu.vector_store_idx %arg15[%broadcast_in_dim3A_394], %broadcast_in_dim3A_373 masked %eq3A_397 : memref<32xi32, #tpu.memory_space<vmem>>[vector<16xi32>], vector<16xi32>, vector<16xi1>
        scf.yield %select_n3A_384, %select_n3A_387, %select_n3A_390, %select_n3A_393 : vector<16xi32>, vector<16xi32>, vector<16xi32>, vector<16xi32>
      }
      %scan3A_205 = arith.constant 32 : i32
      %min3A_206 = arith.constant 32 : i32
      %min3A_207 = arith.minsi %min3A_76, %min3A_206 : i32
      %broadcast_in_dim3A_208 = vector.broadcast %min3A_207 : i32 to vector<16xi32>
      %get3A_209 = arith.constant 0 : index
      %get3A_210 = tpu.vector_load %arg15[%get3A_209] {strides = array<i32>} : memref<32xi32, #tpu.memory_space<vmem>>, vector<16xi32>,
      %add3A_211 = arith.constant 0 : i32
      %add3A_212 = vector.broadcast %add3A_211 : i32 to vector<16xi32>
      %add3A_213 = arith.addi %add3A_212, %iota3A : vector<16xi32>
      %lt3A_214 = arith.cmpi slt, %add3A_213, %broadcast_in_dim3A_208 : vector<16xi32>
      %gather3A_215 = tpu.vector_load_idx %arg7[%get3A_210] : memref<8192xf32, #tpu.memory_space<vmem>>[vector<16xi32>], vector<16xf32>,
      %gather3A_216 = tpu.vector_load_idx %arg8[%get3A_210] : memref<8192xf32, #tpu.memory_space<vmem>>[vector<16xi32>], vector<16xf32>,
      %gather3A_217 = tpu.vector_load_idx %arg9[%get3A_210] : memref<8192xf32, #tpu.memory_space<vmem>>[vector<16xi32>], vector<16xf32>,
      %gather3A_218 = tpu.vector_load_idx %arg10[%get3A_210] : memref<8192xf32, #tpu.memory_space<vmem>>[vector<16xi32>], vector<16xf32>,
      %broadcast_in_dim3A_219 = arith.constant 0.000000e+00 : f32
      %broadcast_in_dim3A_220 = vector.broadcast %broadcast_in_dim3A_219 : f32 to vector<16xf32>
      %sub3A_221 = arith.subf %gather3A_215, %gather3A_36 : vector<16xf32>
      %mul3A_222 = arith.constant 5.000000e+00 : f32
      %mul3A_223 = vector.broadcast %mul3A_222 : f32 to vector<16xf32>
      %mul3A_224 = arith.mulf %sub3A_221, %mul3A_223 : vector<16xf32>
      %select_n3A_225 = arith.select %lt3A_214, %mul3A_224, %broadcast_in_dim3A_220 : vector<16xi1>, vector<16xf32>
      %sub3A_226 = arith.subf %gather3A_216, %gather3A_40 : vector<16xf32>
      %mul3A_227 = arith.constant 5.000000e+00 : f32
      %mul3A_228 = vector.broadcast %mul3A_227 : f32 to vector<16xf32>
      %mul3A_229 = arith.mulf %sub3A_226, %mul3A_228 : vector<16xf32>
      %select_n3A_230 = arith.select %lt3A_214, %mul3A_229, %broadcast_in_dim3A_220 : vector<16xi1>, vector<16xf32>
      %sub3A_231 = arith.subf %gather3A_217, %gather3A_44 : vector<16xf32>
      %mul3A_232 = arith.constant 5.000000e+00 : f32
      %mul3A_233 = vector.broadcast %mul3A_232 : f32 to vector<16xf32>
      %mul3A_234 = arith.mulf %sub3A_231, %mul3A_233 : vector<16xf32>
      %select_n3A_235 = arith.select %lt3A_214, %mul3A_234, %broadcast_in_dim3A_220 : vector<16xi1>, vector<16xf32>
      %select_n3A_236 = arith.select %lt3A_214, %gather3A_218, %broadcast_in_dim3A_220 : vector<16xi1>, vector<16xf32>
      %add3A_237 = arith.constant 0 : i32
      %add3A_238 = vector.broadcast %add3A_237 : i32 to vector<16xi32>
      %add3A_239 = arith.addi %add3A_238, %iota3A : vector<16xi32>
      %mul3A_240 = arith.constant 4 : i32
      %mul3A_241 = vector.broadcast %mul3A_240 : i32 to vector<16xi32>
      %mul3A_242 = arith.muli %add3A_239, %mul3A_241 : vector<16xi32>
      tpu.vector_store_idx %arg16[%mul3A_242], %select_n3A_225 : memref<128xf32, #tpu.memory_space<vmem>>[vector<16xi32>], vector<16xf32>,
      %add3A_243 = arith.constant 1 : i32
      %add3A_244 = vector.broadcast %add3A_243 : i32 to vector<16xi32>
      %add3A_245 = arith.addi %mul3A_242, %add3A_244 : vector<16xi32>
      tpu.vector_store_idx %arg16[%add3A_245], %select_n3A_230 : memref<128xf32, #tpu.memory_space<vmem>>[vector<16xi32>], vector<16xf32>,
      %add3A_246 = arith.constant 2 : i32
      %add3A_247 = vector.broadcast %add3A_246 : i32 to vector<16xi32>
      %add3A_248 = arith.addi %mul3A_242, %add3A_247 : vector<16xi32>
      tpu.vector_store_idx %arg16[%add3A_248], %select_n3A_235 : memref<128xf32, #tpu.memory_space<vmem>>[vector<16xi32>], vector<16xf32>,
      %add3A_249 = arith.constant 3 : i32
      %add3A_250 = vector.broadcast %add3A_249 : i32 to vector<16xi32>
      %add3A_251 = arith.addi %mul3A_242, %add3A_250 : vector<16xi32>
      tpu.vector_store_idx %arg16[%add3A_251], %select_n3A_236 : memref<128xf32, #tpu.memory_space<vmem>>[vector<16xi32>], vector<16xf32>,
      %convert_element_type3A = arith.extui %lt3A_214 : vector<16xi1> to vector<16xi32>
      %swap3A_252 = arith.constant 0 : index
      %swap3A_253 = tpu.vector_load %arg17[%swap3A_252] {strides = array<i32>} : memref<32xi32, #tpu.memory_space<vmem>>, vector<16xi32>,
      tpu.vector_store %arg17[%swap3A_252], %convert_element_type3A {strides = array<i32>} : memref<32xi32, #tpu.memory_space<vmem>>, vector<16xi32>,
      %get3A_254 = arith.constant 16 : index
      %get3A_255 = tpu.vector_load %arg15[%get3A_254] {strides = array<i32>} : memref<32xi32, #tpu.memory_space<vmem>>, vector<16xi32>,
      %add3A_256 = arith.constant 16 : i32
      %add3A_257 = vector.broadcast %add3A_256 : i32 to vector<16xi32>
      %add3A_258 = arith.addi %add3A_257, %iota3A : vector<16xi32>
      %lt3A_259 = arith.cmpi slt, %add3A_258, %broadcast_in_dim3A_208 : vector<16xi32>
      %gather3A_260 = tpu.vector_load_idx %arg7[%get3A_255] : memref<8192xf32, #tpu.memory_space<vmem>>[vector<16xi32>], vector<16xf32>,
      %gather3A_261 = tpu.vector_load_idx %arg8[%get3A_255] : memref<8192xf32, #tpu.memory_space<vmem>>[vector<16xi32>], vector<16xf32>,
      %gather3A_262 = tpu.vector_load_idx %arg9[%get3A_255] : memref<8192xf32, #tpu.memory_space<vmem>>[vector<16xi32>], vector<16xf32>,
      %gather3A_263 = tpu.vector_load_idx %arg10[%get3A_255] : memref<8192xf32, #tpu.memory_space<vmem>>[vector<16xi32>], vector<16xf32>,
      %broadcast_in_dim3A_264 = arith.constant 0.000000e+00 : f32
      %broadcast_in_dim3A_265 = vector.broadcast %broadcast_in_dim3A_264 : f32 to vector<16xf32>
      %sub3A_266 = arith.subf %gather3A_260, %gather3A_36 : vector<16xf32>
      %mul3A_267 = arith.constant 5.000000e+00 : f32
      %mul3A_268 = vector.broadcast %mul3A_267 : f32 to vector<16xf32>
      %mul3A_269 = arith.mulf %sub3A_266, %mul3A_268 : vector<16xf32>
      %select_n3A_270 = arith.select %lt3A_259, %mul3A_269, %broadcast_in_dim3A_265 : vector<16xi1>, vector<16xf32>
      %sub3A_271 = arith.subf %gather3A_261, %gather3A_40 : vector<16xf32>
      %mul3A_272 = arith.constant 5.000000e+00 : f32
      %mul3A_273 = vector.broadcast %mul3A_272 : f32 to vector<16xf32>
      %mul3A_274 = arith.mulf %sub3A_271, %mul3A_273 : vector<16xf32>
      %select_n3A_275 = arith.select %lt3A_259, %mul3A_274, %broadcast_in_dim3A_265 : vector<16xi1>, vector<16xf32>
      %sub3A_276 = arith.subf %gather3A_262, %gather3A_44 : vector<16xf32>
      %mul3A_277 = arith.constant 5.000000e+00 : f32
      %mul3A_278 = vector.broadcast %mul3A_277 : f32 to vector<16xf32>
      %mul3A_279 = arith.mulf %sub3A_276, %mul3A_278 : vector<16xf32>
      %select_n3A_280 = arith.select %lt3A_259, %mul3A_279, %broadcast_in_dim3A_265 : vector<16xi1>, vector<16xf32>
      %select_n3A_281 = arith.select %lt3A_259, %gather3A_263, %broadcast_in_dim3A_265 : vector<16xi1>, vector<16xf32>
      %add3A_282 = arith.constant 16 : i32
      %add3A_283 = vector.broadcast %add3A_282 : i32 to vector<16xi32>
      %add3A_284 = arith.addi %add3A_283, %iota3A : vector<16xi32>
      %mul3A_285 = arith.constant 4 : i32
      %mul3A_286 = vector.broadcast %mul3A_285 : i32 to vector<16xi32>
      %mul3A_287 = arith.muli %add3A_284, %mul3A_286 : vector<16xi32>
      tpu.vector_store_idx %arg16[%mul3A_287], %select_n3A_270 : memref<128xf32, #tpu.memory_space<vmem>>[vector<16xi32>], vector<16xf32>,
      %add3A_288 = arith.constant 1 : i32
      %add3A_289 = vector.broadcast %add3A_288 : i32 to vector<16xi32>
      %add3A_290 = arith.addi %mul3A_287, %add3A_289 : vector<16xi32>
      tpu.vector_store_idx %arg16[%add3A_290], %select_n3A_275 : memref<128xf32, #tpu.memory_space<vmem>>[vector<16xi32>], vector<16xf32>,
      %add3A_291 = arith.constant 2 : i32
      %add3A_292 = vector.broadcast %add3A_291 : i32 to vector<16xi32>
      %add3A_293 = arith.addi %mul3A_287, %add3A_292 : vector<16xi32>
      tpu.vector_store_idx %arg16[%add3A_293], %select_n3A_280 : memref<128xf32, #tpu.memory_space<vmem>>[vector<16xi32>], vector<16xf32>,
      %add3A_294 = arith.constant 3 : i32
      %add3A_295 = vector.broadcast %add3A_294 : i32 to vector<16xi32>
      %add3A_296 = arith.addi %mul3A_287, %add3A_295 : vector<16xi32>
      tpu.vector_store_idx %arg16[%add3A_296], %select_n3A_281 : memref<128xf32, #tpu.memory_space<vmem>>[vector<16xi32>], vector<16xf32>,
      %convert_element_type3A_297 = arith.extui %lt3A_259 : vector<16xi1> to vector<16xi32>
      %swap3A_298 = arith.constant 16 : index
      %swap3A_299 = tpu.vector_load %arg17[%swap3A_298] {strides = array<i32>} : memref<32xi32, #tpu.memory_space<vmem>>, vector<16xi32>,
      tpu.vector_store %arg17[%swap3A_298], %convert_element_type3A_297 {strides = array<i32>} : memref<32xi32, #tpu.memory_space<vmem>>, vector<16xi32>,
      "tpu.region"() ({
        %run_scoped3A_301 = tpu.sem_alloc : memref<!tpu.dma_semaphore, #tpu.memory_space<semaphore_mem>>
        %dma_start3A = arith.constant 0 : i32
        %dma_start3A_302 = tpu.memref_slice %arg5[%add3A_32, %dma_start3A] : memref<1024x128xf32, #tpu.memory_space<hbm>> -> memref<1x128xf32, #tpu.memory_space<hbm>>
        %dma_start3A_303 = tpu.memref_squeeze %dma_start3A_302 : memref<1x128xf32, #tpu.memory_space<hbm>> -> memref<128xf32, #tpu.memory_space<hbm>>
        %dma_start3A_304 = arith.constant 0 : i32
        %dma_start3A_305 = tpu.memref_slice %arg5[%add3A_32, %dma_start3A_304] : memref<1024x128xf32, #tpu.memory_space<hbm>> -> memref<1x128xf32, #tpu.memory_space<hbm>>
        %dma_start3A_306 = tpu.memref_squeeze %dma_start3A_305 : memref<1x128xf32, #tpu.memory_space<hbm>> -> memref<128xf32, #tpu.memory_space<hbm>>
        tpu.enqueue_dma source(%arg16 : memref<128xf32, #tpu.memory_space<vmem>>) target(%dma_start3A_306 : memref<128xf32, #tpu.memory_space<hbm>>) target_semaphore(%run_scoped3A_301 : memref<!tpu.dma_semaphore, #tpu.memory_space<semaphore_mem>>)
        %dma_wait3A = arith.constant 0 : i32
        %dma_wait3A_307 = tpu.memref_slice %arg5[%add3A_32, %dma_wait3A] : memref<1024x128xf32, #tpu.memory_space<hbm>> -> memref<1x128xf32, #tpu.memory_space<hbm>>
        %dma_wait3A_308 = tpu.memref_squeeze %dma_wait3A_307 : memref<1x128xf32, #tpu.memory_space<hbm>> -> memref<128xf32, #tpu.memory_space<hbm>>
        %dma_wait3A_309 = arith.constant 0 : i32
        %dma_wait3A_310 = tpu.memref_slice %arg5[%add3A_32, %dma_wait3A_309] : memref<1024x128xf32, #tpu.memory_space<hbm>> -> memref<1x128xf32, #tpu.memory_space<hbm>>
        %dma_wait3A_311 = tpu.memref_squeeze %dma_wait3A_310 : memref<1x128xf32, #tpu.memory_space<hbm>> -> memref<128xf32, #tpu.memory_space<hbm>>
        tpu.wait_dma2 semaphore(%run_scoped3A_301 : memref<!tpu.dma_semaphore, #tpu.memory_space<semaphore_mem>>) src(%arg16 : memref<128xf32, #tpu.memory_space<vmem>>) dst(%dma_wait3A_311 : memref<128xf32, #tpu.memory_space<hbm>>)
        tpu.yield
      }) : () -> ()
      "tpu.region"() ({
        %run_scoped3A_301 = tpu.sem_alloc : memref<!tpu.dma_semaphore, #tpu.memory_space<semaphore_mem>>
        %dma_start3A = arith.constant 0 : i32
        %dma_start3A_302 = tpu.memref_slice %arg6[%add3A_32, %dma_start3A] : memref<1024x32xi32, #tpu.memory_space<hbm>> -> memref<1x32xi32, #tpu.memory_space<hbm>>
        %dma_start3A_303 = tpu.memref_squeeze %dma_start3A_302 : memref<1x32xi32, #tpu.memory_space<hbm>> -> memref<32xi32, #tpu.memory_space<hbm>>
        %dma_start3A_304 = arith.constant 0 : i32
        %dma_start3A_305 = tpu.memref_slice %arg6[%add3A_32, %dma_start3A_304] : memref<1024x32xi32, #tpu.memory_space<hbm>> -> memref<1x32xi32, #tpu.memory_space<hbm>>
        %dma_start3A_306 = tpu.memref_squeeze %dma_start3A_305 : memref<1x32xi32, #tpu.memory_space<hbm>> -> memref<32xi32, #tpu.memory_space<hbm>>
        tpu.enqueue_dma source(%arg17 : memref<32xi32, #tpu.memory_space<vmem>>) target(%dma_start3A_306 : memref<32xi32, #tpu.memory_space<hbm>>) target_semaphore(%run_scoped3A_301 : memref<!tpu.dma_semaphore, #tpu.memory_space<semaphore_mem>>)
        %dma_wait3A = arith.constant 0 : i32
        %dma_wait3A_307 = tpu.memref_slice %arg6[%add3A_32, %dma_wait3A] : memref<1024x32xi32, #tpu.memory_space<hbm>> -> memref<1x32xi32, #tpu.memory_space<hbm>>
        %dma_wait3A_308 = tpu.memref_squeeze %dma_wait3A_307 : memref<1x32xi32, #tpu.memory_space<hbm>> -> memref<32xi32, #tpu.memory_space<hbm>>
        %dma_wait3A_309 = arith.constant 0 : i32
        %dma_wait3A_310 = tpu.memref_slice %arg6[%add3A_32, %dma_wait3A_309] : memref<1024x32xi32, #tpu.memory_space<hbm>> -> memref<1x32xi32, #tpu.memory_space<hbm>>
        %dma_wait3A_311 = tpu.memref_squeeze %dma_wait3A_310 : memref<1x32xi32, #tpu.memory_space<hbm>> -> memref<32xi32, #tpu.memory_space<hbm>>
        tpu.wait_dma2 semaphore(%run_scoped3A_301 : memref<!tpu.dma_semaphore, #tpu.memory_space<semaphore_mem>>) src(%arg17 : memref<32xi32, #tpu.memory_space<vmem>>) dst(%dma_wait3A_311 : memref<32xi32, #tpu.memory_space<hbm>>)
        tpu.yield
      }) : () -> ()
      %scan3A_300 = arith.constant 0 : i32
      scf.yield %scan3A_300 : i32
    }
    %scan3A_27 = arith.constant 32 : i32
    return
  }
}

module attributes {stable_mosaic.version = 14 : i64} {
  func.func @_fps_kernel(%arg0: memref<4x4x8192xf32, #tpu.memory_space<vmem>>, %arg1: memref<4x1x8192xi32, #tpu.memory_space<vmem>>, %arg2: memref<4x256x4xf32, #tpu.memory_space<vmem>>, %arg3: memref<4x8192xf32, #tpu.memory_space<vmem>>) attributes {dimension_semantics = [], scalar_prefetch = 0 : i64, scratch_operands = 1 : i64, tpu.core_type = #tpu.core_type<tc>} {
    %get3A = arith.constant 0 : index
    %get3A_0 = arith.constant 0 : index
    %get3A_1 = arith.constant 0 : index
    %get3A_2 = vector.load %arg0[%get3A, %get3A_0, %get3A_1] : memref<4x4x8192xf32, #tpu.memory_space<vmem>>, vector<4x1x8192xf32>
    %get3A_3 = vector.shape_cast %get3A_2 : vector<4x1x8192xf32> to vector<4x8192xf32>
    %get3A_4 = arith.constant 0 : index
    %get3A_5 = arith.constant 1 : index
    %get3A_6 = arith.constant 0 : index
    %get3A_7 = vector.load %arg0[%get3A_4, %get3A_5, %get3A_6] : memref<4x4x8192xf32, #tpu.memory_space<vmem>>, vector<4x1x8192xf32>
    %get3A_8 = vector.shape_cast %get3A_7 : vector<4x1x8192xf32> to vector<4x8192xf32>
    %get3A_9 = arith.constant 0 : index
    %get3A_10 = arith.constant 2 : index
    %get3A_11 = arith.constant 0 : index
    %get3A_12 = vector.load %arg0[%get3A_9, %get3A_10, %get3A_11] : memref<4x4x8192xf32, #tpu.memory_space<vmem>>, vector<4x1x8192xf32>
    %get3A_13 = vector.shape_cast %get3A_12 : vector<4x1x8192xf32> to vector<4x8192xf32>
    %get3A_14 = arith.constant 0 : index
    %get3A_15 = arith.constant 3 : index
    %get3A_16 = arith.constant 0 : index
    %get3A_17 = vector.load %arg0[%get3A_14, %get3A_15, %get3A_16] : memref<4x4x8192xf32, #tpu.memory_space<vmem>>, vector<4x1x8192xf32>
    %get3A_18 = vector.shape_cast %get3A_17 : vector<4x1x8192xf32> to vector<4x8192xf32>
    %get3A_19 = arith.constant 0 : index
    %get3A_20 = arith.constant 0 : index
    %get3A_21 = arith.constant 0 : index
    %get3A_22 = vector.load %arg1[%get3A_19, %get3A_20, %get3A_21] : memref<4x1x8192xi32, #tpu.memory_space<vmem>>, vector<4x1x8192xi32>
    %get3A_23 = vector.shape_cast %get3A_22 : vector<4x1x8192xi32> to vector<4x8192xi32>
    %ne3A = arith.constant 0 : i32
    %ne3A_24 = vector.broadcast %ne3A : i32 to vector<4x8192xi32>
    %ne3A_25 = arith.cmpi ne, %get3A_23, %ne3A_24 : vector<4x8192xi32>
    %iota3A = tpu.iota {dimensions = array<i32: 1>} : vector<4x8192xi32>
    %neg3A = arith.constant 0.000000e+00 : f32
    %neg3A_26 = arith.constant 0x7F800000 : f32
    %neg3A_27 = arith.subf %neg3A, %neg3A_26 : f32
    %jit3A = arith.constant 0x7F800000 : f32
    %broadcast_in_dim3A = vector.broadcast %jit3A : f32 to vector<4x8192xf32>
    %broadcast_in_dim3A_28 = vector.broadcast %neg3A_27 : f32 to vector<4x8192xf32>
    %select_n3A = arith.select %ne3A_25, %broadcast_in_dim3A, %broadcast_in_dim3A_28 : vector<4x8192xi1>, vector<4x8192xf32>
    %swap3A = arith.constant 0 : index
    %swap3A_29 = arith.constant 0 : index
    %swap3A_30 = vector.load %arg3[%swap3A, %swap3A_29] : memref<4x8192xf32, #tpu.memory_space<vmem>>, vector<4x8192xf32>
    tpu.vector_store %arg3[%swap3A, %swap3A_29], %select_n3A {strides = array<i32>} : memref<4x8192xf32, #tpu.memory_space<vmem>>, vector<4x8192xf32>,
    %broadcast_in_dim3A_31 = arith.constant 0 : i32
    %broadcast_in_dim3A_32 = vector.broadcast %broadcast_in_dim3A_31 : i32 to vector<4x1xi32>
    %eq3A = vector.broadcast %broadcast_in_dim3A_32 : vector<4x1xi32> to vector<4x8192xi32>
    %eq3A_33 = arith.cmpi eq, %iota3A, %eq3A : vector<4x8192xi32>
    %jit3A_34 = arith.constant 0.000000e+00 : f32
    %broadcast_in_dim3A_35 = vector.broadcast %jit3A_34 : f32 to vector<4x8192xf32>
    %select_n3A_36 = arith.select %eq3A_33, %get3A_3, %broadcast_in_dim3A_35 : vector<4x8192xi1>, vector<4x8192xf32>
    %reduce_sum3A = arith.constant dense<0.000000e+00> : vector<4xf32>
    %reduce_sum3A_37 = vector.multi_reduction <add>, %select_n3A_36, %reduce_sum3A [1] : vector<4x8192xf32> to vector<4xf32>
    %broadcast_in_dim3A_38 = vector.shape_cast %reduce_sum3A_37 : vector<4xf32> to vector<4x1xf32>
    %jit3A_39 = arith.constant 0.000000e+00 : f32
    %broadcast_in_dim3A_40 = vector.broadcast %jit3A_39 : f32 to vector<4x8192xf32>
    %select_n3A_41 = arith.select %eq3A_33, %get3A_8, %broadcast_in_dim3A_40 : vector<4x8192xi1>, vector<4x8192xf32>
    %reduce_sum3A_42 = arith.constant dense<0.000000e+00> : vector<4xf32>
    %reduce_sum3A_43 = vector.multi_reduction <add>, %select_n3A_41, %reduce_sum3A_42 [1] : vector<4x8192xf32> to vector<4xf32>
    %broadcast_in_dim3A_44 = vector.shape_cast %reduce_sum3A_43 : vector<4xf32> to vector<4x1xf32>
    %jit3A_45 = arith.constant 0.000000e+00 : f32
    %broadcast_in_dim3A_46 = vector.broadcast %jit3A_45 : f32 to vector<4x8192xf32>
    %select_n3A_47 = arith.select %eq3A_33, %get3A_13, %broadcast_in_dim3A_46 : vector<4x8192xi1>, vector<4x8192xf32>
    %reduce_sum3A_48 = arith.constant dense<0.000000e+00> : vector<4xf32>
    %reduce_sum3A_49 = vector.multi_reduction <add>, %select_n3A_47, %reduce_sum3A_48 [1] : vector<4x8192xf32> to vector<4xf32>
    %broadcast_in_dim3A_50 = vector.shape_cast %reduce_sum3A_49 : vector<4xf32> to vector<4x1xf32>
    %jit3A_51 = arith.constant 0.000000e+00 : f32
    %broadcast_in_dim3A_52 = vector.broadcast %jit3A_51 : f32 to vector<4x8192xf32>
    %select_n3A_53 = arith.select %eq3A_33, %get3A_18, %broadcast_in_dim3A_52 : vector<4x8192xi1>, vector<4x8192xf32>
    %reduce_sum3A_54 = arith.constant dense<0.000000e+00> : vector<4xf32>
    %reduce_sum3A_55 = vector.multi_reduction <add>, %select_n3A_53, %reduce_sum3A_54 [1] : vector<4x8192xf32> to vector<4xf32>
    %broadcast_in_dim3A_56 = vector.shape_cast %reduce_sum3A_55 : vector<4xf32> to vector<4x1xf32>
    %concatenate3A = tpu.concatenate %broadcast_in_dim3A_38, %broadcast_in_dim3A_44, %broadcast_in_dim3A_50, %broadcast_in_dim3A_56 in 1 : vector<4x1xf32>, vector<4x1xf32>, vector<4x1xf32>, vector<4x1xf32> -> vector<4x4xf32>
    %reshape3A = vector.shape_cast %concatenate3A : vector<4x4xf32> to vector<4x1x4xf32>
    %swap3A_57 = arith.constant 0 : index
    %swap3A_58 = arith.constant 0 : index
    %swap3A_59 = arith.constant 0 : index
    %swap3A_60 = vector.load %arg2[%swap3A_57, %swap3A_58, %swap3A_59] : memref<4x256x4xf32, #tpu.memory_space<vmem>>, vector<4x1x4xf32>
    tpu.vector_store %arg2[%swap3A_57, %swap3A_58, %swap3A_59], %reshape3A {strides = array<i32>} : memref<4x256x4xf32, #tpu.memory_space<vmem>>, vector<4x1x4xf32>,
    %scan3A = arith.constant 0x7F800000 : f32
    %scan3A_61 = arith.constant 1 : i32
    %scan3A_62 = arith.constant 255 : i32
    %scan3A_63 = arith.addi %scan3A_61, %scan3A_62 : i32
    %scan3A_64 = arith.constant 1 : i32
    %scan3A_65:3 = scf.for %scan3A_67 = %scan3A_61 to %scan3A_63 step %scan3A_64 iter_args(%scan3A_68 = %broadcast_in_dim3A_38, %scan3A_69 = %broadcast_in_dim3A_44, %scan3A_70 = %broadcast_in_dim3A_50) -> (vector<4x1xf32>, vector<4x1xf32>, vector<4x1xf32>)  : i32 {
      %sub3A = vector.broadcast %scan3A_68 : vector<4x1xf32> to vector<4x8192xf32>
      %sub3A_71 = arith.subf %get3A_3, %sub3A : vector<4x8192xf32>
      %sub3A_72 = vector.broadcast %scan3A_69 : vector<4x1xf32> to vector<4x8192xf32>
      %sub3A_73 = arith.subf %get3A_8, %sub3A_72 : vector<4x8192xf32>
      %sub3A_74 = vector.broadcast %scan3A_70 : vector<4x1xf32> to vector<4x8192xf32>
      %sub3A_75 = arith.subf %get3A_13, %sub3A_74 : vector<4x8192xf32>
      %mul3A = arith.mulf %sub3A_71, %sub3A_71 : vector<4x8192xf32>
      %mul3A_76 = arith.mulf %sub3A_73, %sub3A_73 : vector<4x8192xf32>
      %add3A = arith.addf %mul3A, %mul3A_76 : vector<4x8192xf32>
      %mul3A_77 = arith.mulf %sub3A_75, %sub3A_75 : vector<4x8192xf32>
      %add3A_78 = arith.addf %add3A, %mul3A_77 : vector<4x8192xf32>
      %get3A_79 = arith.constant 0 : index
      %get3A_80 = arith.constant 0 : index
      %get3A_81 = vector.load %arg3[%get3A_79, %get3A_80] : memref<4x8192xf32, #tpu.memory_space<vmem>>, vector<4x8192xf32>
      %neg3A_82 = arith.constant 0.000000e+00 : f32
      %neg3A_83 = arith.subf %neg3A_82, %scan3A : f32
      %broadcast_in_dim3A_84 = vector.broadcast %neg3A_83 : f32 to vector<4x8192xf32>
      %select_n3A_85 = arith.select %ne3A_25, %add3A_78, %broadcast_in_dim3A_84 : vector<4x8192xi1>, vector<4x8192xf32>
      %min3A = arith.minimumf %get3A_81, %select_n3A_85 : vector<4x8192xf32>
      %swap3A_86 = arith.constant 0 : index
      %swap3A_87 = arith.constant 0 : index
      %swap3A_88 = vector.load %arg3[%swap3A_86, %swap3A_87] : memref<4x8192xf32, #tpu.memory_space<vmem>>, vector<4x8192xf32>
      tpu.vector_store %arg3[%swap3A_86, %swap3A_87], %min3A {strides = array<i32>} : memref<4x8192xf32, #tpu.memory_space<vmem>>, vector<4x8192xf32>,
      %reduce_max3A = arith.constant dense<0xFF800000> : vector<4xf32>
      %reduce_max3A_89 = vector.multi_reduction <maximumf>, %min3A, %reduce_max3A [1] : vector<4x8192xf32> to vector<4xf32>
      %broadcast_in_dim3A_90 = vector.shape_cast %reduce_max3A_89 : vector<4xf32> to vector<4x1xf32>
      %eq3A_91 = vector.broadcast %broadcast_in_dim3A_90 : vector<4x1xf32> to vector<4x8192xf32>
      %eq3A_92 = arith.cmpf oeq, %min3A, %eq3A_91 : vector<4x8192xf32>
      %jit3A_93 = arith.constant 8192 : i32
      %broadcast_in_dim3A_94 = vector.broadcast %jit3A_93 : i32 to vector<4x8192xi32>
      %select_n3A_95 = arith.select %eq3A_92, %iota3A, %broadcast_in_dim3A_94 : vector<4x8192xi1>, vector<4x8192xi32>
      %reduce_min3A = arith.constant dense<2147483647> : vector<4xi32>
      %reduce_min3A_96 = vector.multi_reduction <minsi>, %select_n3A_95, %reduce_min3A [1] : vector<4x8192xi32> to vector<4xi32>
      %broadcast_in_dim3A_97 = vector.shape_cast %reduce_min3A_96 : vector<4xi32> to vector<4x1xi32>
      %eq3A_98 = vector.broadcast %broadcast_in_dim3A_97 : vector<4x1xi32> to vector<4x8192xi32>
      %eq3A_99 = arith.cmpi eq, %iota3A, %eq3A_98 : vector<4x8192xi32>
      %jit3A_100 = arith.constant 0.000000e+00 : f32
      %broadcast_in_dim3A_101 = vector.broadcast %jit3A_100 : f32 to vector<4x8192xf32>
      %select_n3A_102 = arith.select %eq3A_99, %get3A_3, %broadcast_in_dim3A_101 : vector<4x8192xi1>, vector<4x8192xf32>
      %reduce_sum3A_103 = arith.constant dense<0.000000e+00> : vector<4xf32>
      %reduce_sum3A_104 = vector.multi_reduction <add>, %select_n3A_102, %reduce_sum3A_103 [1] : vector<4x8192xf32> to vector<4xf32>
      %broadcast_in_dim3A_105 = vector.shape_cast %reduce_sum3A_104 : vector<4xf32> to vector<4x1xf32>
      %jit3A_106 = arith.constant 0.000000e+00 : f32
      %broadcast_in_dim3A_107 = vector.broadcast %jit3A_106 : f32 to vector<4x8192xf32>
      %select_n3A_108 = arith.select %eq3A_99, %get3A_8, %broadcast_in_dim3A_107 : vector<4x8192xi1>, vector<4x8192xf32>
      %reduce_sum3A_109 = arith.constant dense<0.000000e+00> : vector<4xf32>
      %reduce_sum3A_110 = vector.multi_reduction <add>, %select_n3A_108, %reduce_sum3A_109 [1] : vector<4x8192xf32> to vector<4xf32>
      %broadcast_in_dim3A_111 = vector.shape_cast %reduce_sum3A_110 : vector<4xf32> to vector<4x1xf32>
      %jit3A_112 = arith.constant 0.000000e+00 : f32
      %broadcast_in_dim3A_113 = vector.broadcast %jit3A_112 : f32 to vector<4x8192xf32>
      %select_n3A_114 = arith.select %eq3A_99, %get3A_13, %broadcast_in_dim3A_113 : vector<4x8192xi1>, vector<4x8192xf32>
      %reduce_sum3A_115 = arith.constant dense<0.000000e+00> : vector<4xf32>
      %reduce_sum3A_116 = vector.multi_reduction <add>, %select_n3A_114, %reduce_sum3A_115 [1] : vector<4x8192xf32> to vector<4xf32>
      %broadcast_in_dim3A_117 = vector.shape_cast %reduce_sum3A_116 : vector<4xf32> to vector<4x1xf32>
      %jit3A_118 = arith.constant 0.000000e+00 : f32
      %broadcast_in_dim3A_119 = vector.broadcast %jit3A_118 : f32 to vector<4x8192xf32>
      %select_n3A_120 = arith.select %eq3A_99, %get3A_18, %broadcast_in_dim3A_119 : vector<4x8192xi1>, vector<4x8192xf32>
      %reduce_sum3A_121 = arith.constant dense<0.000000e+00> : vector<4xf32>
      %reduce_sum3A_122 = vector.multi_reduction <add>, %select_n3A_120, %reduce_sum3A_121 [1] : vector<4x8192xf32> to vector<4xf32>
      %broadcast_in_dim3A_123 = vector.shape_cast %reduce_sum3A_122 : vector<4xf32> to vector<4x1xf32>
      %concatenate3A_124 = tpu.concatenate %broadcast_in_dim3A_105, %broadcast_in_dim3A_111, %broadcast_in_dim3A_117, %broadcast_in_dim3A_123 in 1 : vector<4x1xf32>, vector<4x1xf32>, vector<4x1xf32>, vector<4x1xf32> -> vector<4x4xf32>
      %reshape3A_125 = vector.shape_cast %concatenate3A_124 : vector<4x4xf32> to vector<4x1x4xf32>
      %swap3A_126 = arith.constant 0 : index
      %swap3A_127 = arith.index_cast %scan3A_67 : i32 to index
      %swap3A_128 = arith.constant 0 : index
      %swap3A_129 = vector.load %arg2[%swap3A_126, %swap3A_127, %swap3A_128] : memref<4x256x4xf32, #tpu.memory_space<vmem>>, vector<4x1x4xf32>
      tpu.vector_store %arg2[%swap3A_126, %swap3A_127, %swap3A_128], %reshape3A_125 {strides = array<i32>} : memref<4x256x4xf32, #tpu.memory_space<vmem>>, vector<4x1x4xf32>,
      scf.yield %broadcast_in_dim3A_105, %broadcast_in_dim3A_111, %broadcast_in_dim3A_117 : vector<4x1xf32>, vector<4x1xf32>, vector<4x1xf32>
    }
    %scan3A_66 = arith.constant 255 : i32
    return
  }
}

</mosaic_0001>

<sc_bundles>
// kernel: kernel.4.cloned.1.call-start
scs
__scs_entry_jumppad:
0x0: {  	(pc) =	sbr.rel $0x88, $3  }
0x1: {  	(tag) =	ssettag $0x0;
	lr =	simm.s32 $0x1  }
0x2: {  	[smem:$0x3F9F] =	sst lr;
	_ =	strace $0xD0000000  }
0x3: {  	_ = 	snop  }
0x4: {  	_ = 	snop  }
0x5: {  	_ = 	snop  }
0x6: {  	_ = 	snop  }
0x7: {  	_ = 	snop  }
__scs_overlays_trampoline_lowered:
0x8: {  	[smem:$0x3FAE] =	sst s0  }
0x9: {  	[smem:$0x3FAF] =	sst s1  }
0xa: {  	[smem:$0x3FB0] =	sst s2  }
0xb: {  	[smem:$0x3FB1] =	sst s3  }
0xc: {  	[smem:$0x3FB2] =	sst s4  }
0xd: {  	[smem:$0x3FB3] =	sst s5  }
0xe: {  	[smem:$0x3FB4] =	sst s6  }
0xf: {  	[smem:$0x3FB5] =	sst s7  }
0x10: {  	[smem:$0x3FB6] =	sst s8  }
0x11: {  	[smem:$0x3FB7] =	sst s9;
	s0 =	simm.s32 @!p0 $0x0  }
0x12: {  	s1 =	sld [smem:$0x3F9D];
	s0 =	simm.s32 @p0 $0x1  }
0x13: {  	[smem:$0x3FB8] =	sst s0;
	s0 =	simm.s32 @!p1 $0x0  }
0x14: {  	s2 =	sld [smem:$0x3F9C];
	s0 =	simm.s32 @p1 $0x1  }
0x15: {  	[smem:$0x3FB9] =	sst s0;
	s0 =	simm.s32 @!p2 $0x0  }
0x16: {  	s3 =	sld [smem:$0x3FDB];
	s0 =	simm.s32 @p2 $0x1  }
0x17: {  	s4 =	simm.s32 $0x1BF5;
	[smem:$0x3FBB] =	sst s0  }
0x18: {  	s0 =	sld [smem:$0x3F9E];
	_ =	swait.ge [sflag:s4], $0x0  }
0x19: {  	s7 =	sld [smem:$0x3F9F]  }
0x1a: {  	s8 =	sadd.s32 $0xFFFFE003, lr  }
0x1b: {  	s9 =	sadd.s32 $0xFFFFFEF7, lr;
	s5 =	simm.s32 $0xFFFFFFFF;
	p2 =	slt.u32 s8, $0xFFFFF086  }
0x1c: {  	p1 =	slt.u32 s9, $0xF7A;
	s5 =	simm.s32 @!p2 $0x0  }
0x1d: {  	s5 =	simm.s32 @p1 $0x1;
	p0 =	seq.s32 s7, s2  }
0x1e: {  	s7 =	smul.u32 @!p0 $0xF7A, s2;
	p2 =	seq.s32 @!p0 s5, $0x0  }
0x1f: {  	s9 =	smul.u32 $0xF7A, s1;
	s8 =	simm.s32 @!p0 $0x1BF5;
	p2 =	por !p2, p0  }
0x20: {  	[sflag:s8] =	ssyncset.s32 @!p0 $0xFFFFF086;
	s6 =	sadd.s32 @!p0 s3, s7;
	s7 =	simm.s32 @!p0 $0x108  }
0x21: {  	s3 =	sadd.s32 s3, s9;
	s6 =	sadd.s32 @!p0 $0x88, s6;
	s7 =	simm.s32 @p2 $0x1082  }
0x22: {  	[simem:s7], [sflag:s8] =	dma.local @!p0 [hbm:s6], $0xF7A  }
0x23: {  	s9 =	sor.u32 $0xD0000000, s2;
	s6 =	simm.s32 $0x108;
	_ =	swait.ge @!p0 [sflag:s8], $0x0  }
0x24: {  	s3 =	sadd.s32 $0x88, s3;
	s6 =	simm.s32 @!p1 $0x1082;
	[sflag:s4] =	ssyncset.s32 $0xFFFFF086  }
0x25: {  	[simem:s6], [sflag:s4] =	dma.local [hbm:s3], $0xF7A  }
0x26: {  	[smem:$0x3F9F] =	sst s1;
	(tag) =	ssettag s2;
	_ =	strace s9  }
0x27: {  	s1 =	sld [smem:$0x3FAF]  }
0x28: {  	s2 =	sld [smem:$0x3FB0]  }
0x29: {  	s4 =	sld [smem:$0x3FB2]  }
0x2a: {  	p0 =	seq.s32 s5, $0x0;
	s5 =	sld [smem:$0x3FB3]  }
0x2b: {  	s6 =	sld [smem:$0x3FB4]  }
0x2c: {  	s7 =	sld [smem:$0x3FB5]  }
0x2d: {  	s3 =	simm.s32 $0x108;
	s8 =	sld [smem:$0x3FB6]  }
0x2e: {  	s3 =	simm.s32 @!p0 $0x1082;
	s9 =	sld [smem:$0x3FB7]  }
0x2f: {  	lr =	sadd.s32 s0, s3;
	s0 =	sld [smem:$0x3FAE]  }
0x30: {  	s3 =	sld [smem:$0x3FB1]  }
0x31: {  	[smem:$0x3FBA] =	sst s10  }
0x32: {  	s10 =	sld [smem:$0x3FB8];
	_ =	sdelay $0x3  }
0x33: {  	p0 =	seq.s32 s10, $0x1;
	s10 =	sld [smem:$0x3FBA];
	_ =	sdelay $0x3  }
0x34: {  	[smem:$0x3FBA] =	sst s10  }
0x35: {  	s10 =	sld [smem:$0x3FB9];
	_ =	sdelay $0x3  }
0x36: {  	p1 =	seq.s32 s10, $0x1;
	s10 =	sld [smem:$0x3FBA];
	_ =	sdelay $0x3  }
0x37: {  	[smem:$0x3FBA] =	sst s10  }
0x38: {  	s10 =	sld [smem:$0x3FBB]  }
0x39: {  	_ = 	snop;
	(pc) =	sbr.ind lr, $3  }
0x3a: {  	_ = 	snop  }
0x3b: {  	_ = 	snop  }
0x3c: {  	p2 =	seq.s32 s10, $0x1;
	s10 =	sld [smem:$0x3FBA]  }
0x3d: {  	_ =	shalt  }
0x3e: {  	_ =	shalt  }
0x3f: {  	_ =	shalt  }
0x40: {  	_ =	shalt  }
0x41: {  	_ =	shalt  }
0x42: {  	_ =	shalt  }
0x43: {  	_ =	shalt  }
0x44: {  	_ =	shalt  }
0x45: {  	_ =	shalt  }
0x46: {  	_ =	shalt  }
0x47: {  	_ =	shalt  }
0x48: {  	_ =	shalt  }
0x49: {  	_ =	shalt  }
0x4a: {  	_ =	shalt  }
0x4b: {  	_ =	shalt  }
0x4c: {  	_ =	shalt  }
0x4d: {  	_ =	shalt  }
0x4e: {  	_ =	shalt  }
0x4f: {  	_ =	shalt  }
0x50: {  	_ =	shalt  }
0x51: {  	_ =	shalt  }
0x52: {  	_ =	shalt  }
0x53: {  	_ =	shalt  }
0x54: {  	_ =	shalt  }
0x55: {  	_ =	shalt  }
0x56: {  	_ =	shalt  }
0x57: {  	_ =	shalt  }
0x58: {  	_ =	shalt  }
0x59: {  	_ =	shalt  }
0x5a: {  	_ =	shalt  }
0x5b: {  	_ =	shalt  }
0x5c: {  	_ =	shalt  }
0x5d: {  	_ =	shalt  }
0x5e: {  	_ =	shalt  }
0x5f: {  	_ =	shalt  }
0x60: {  	_ =	shalt  }
0x61: {  	_ =	shalt  }
0x62: {  	_ =	shalt  }
0x63: {  	_ =	shalt  }
0x64: {  	_ =	shalt  }
0x65: {  	_ =	shalt  }
0x66: {  	_ =	shalt  }
0x67: {  	_ =	shalt  }
0x68: {  	_ =	shalt  }
0x69: {  	_ =	shalt  }
0x6a: {  	_ =	shalt  }
0x6b: {  	_ =	shalt  }
0x6c: {  	_ =	shalt  }
0x6d: {  	_ =	shalt  }
0x6e: {  	_ =	shalt  }
0x6f: {  	_ =	shalt  }
0x70: {  	_ =	shalt  }
0x71: {  	_ =	shalt  }
0x72: {  	_ =	shalt  }
0x73: {  	_ =	shalt  }
0x74: {  	_ =	shalt  }
0x75: {  	_ =	shalt  }
0x76: {  	_ =	shalt  }
0x77: {  	_ =	shalt  }
0x78: {  	_ =	shalt  }
0x79: {  	_ =	shalt  }
0x7a: {  	_ =	shalt  }
0x7b: {  	_ =	shalt  }
0x7c: {  	_ =	shalt  }
0x7d: {  	_ =	shalt  }
0x7e: {  	_ =	shalt  }
0x7f: {  	_ =	shalt  }
0x80: {  	_ =	shalt  }
0x81: {  	_ =	shalt  }
0x82: {  	_ =	shalt  }
0x83: {  	_ =	shalt  }
0x84: {  	_ =	shalt  }
0x85: {  	_ =	shalt  }
0x86: {  	_ =	shalt  }
0x87: {  	_ =	shalt  }
.Lfunc_end0:
.L_simem_size_0:
called_computation_lowered:
.L_overlay_start_0:
0x88: {  	s2 =	sld [smem:$0x3FD9]  }
0x89: {  	s3 =	sld [smem:$0x3FFE];
	_ =	sdelay $0x1  }
0x8a: {  	s1 =	srdreg.scid  }
0x8b: {  	s0 =	sand.u32 $0x1, s1  }
0x8c: {  	s14 =	sshll.u32 s0, $0xA;
	s2 =	sadd.s32 s3, s2  }
0x8d: {  	s2 =	sadd.s32 s2, s14  }
0x8e: {  	[smem:$0x3FC6] =	sst s2  }
0x8f: {  	_ = 	snop  }
0x90: {  	s2 =	sld [smem:$0x3FD0];
	_ =	sdelay $0x2  }
0x91: {  	s4 =	simm.s32 $0xA;
	s5 =	simm.s32 $0x10;
	s15 =	sld [smem:$0x3FC9]  }
0x92: {  	[smem:s5], [sflag:s4] =	dma.local [hbm:s2], $0x1  }
0x93: {  	_ =	swait.eq [sflag:s4], $0x1  }
0x94: {  	[sflag:s4] =	ssyncset.done $0x0  }
0x95: {  	s16 =	sld [smem:$0x10];
	[sflag:s4] =	ssyncadd.s32 $0xFFFFFFFF  }
0x96: {  	s17 =	sld [smem:$0x12];
	(tm) =	ssettm $0x1  }
0x97: {  	s18 =	sld [smem:$0x3FFB];
	_ =	sdelay $0x3  }
0x98: {  	_ =	strace s18  }
0x99: {  	s5 =	sld [smem:$0x3FFC];
	_ =	sdelay $0x3  }
0x9a: {  	_ =	strace s5  }
0x9b: {  	s5 =	sld [smem:$0x3FFD];
	_ =	sdelay $0x3  }
0x9c: {  	_ =	strace s5  }
0x9d: {  	_ =	strace $0x8FFFFFFF  }
0x9e: {  	s19 =	sld [smem:$0x3FDB];
	_ =	sdelay $0x1  }
0x9f: {  	s6 =	simm.s32 $_scs_section_size  }
0xa0: {  	s7 =	simm.s32 $_size__tile_overlayer_lowered;
	s8 =	simm.s32 $_tile_overlayer_lowered  }
0xa1: {  	s22 =	simm.s32 $0x1BFF;
	s21 =	sshll.u32 s8, $0x1;
	s5 =	sadd.s32 s6, s19  }
0xa2: {  	s9 =	simm.s32 $0x0;
	s20 =	sshll.u32 s7, $0x1;
	s7 =	sadd.s32 s21, s5  }
0xa3: {  	[timem:s9], [sflag:s22] =	dma.local [hbm:s7], s20  }
0xa4: {  	_ =	swait.ge [sflag:s22], s20  }
0xa5: {  	s6 =	ssub.s32 $0x0, s20;
	[sflag:s22] =	ssyncset.done $0x0  }
0xa6: {  	[sflag:s22] =	ssyncadd.s32 s6;
	_ =	sdelay $0x1  }
0xa7: {  	s23 =	simm.s32 $0x1B8B  }
0xa8: {  	_ =	swait.ge [sflag:s23], $0x1  }
0xa9: {  	[sflag:s23] =	ssyncset.done $0x0  }
0xaa: {  	s25 =	simm.s32 $0x1B8E;
	s24 =	sld [smem:$0x3FFE];
	[sflag:s23] =	ssyncadd.s32 $0xFFFFFFFF  }
0xab: {  	s26 =	simm.s32 $execute0_lowered;
	[smem:$0x3FD2] =	sst s25  }
0xac: {  	s7 =	sshll.u32 s26, $0x1;
	_ =	strace $0x80000046;
	[dreg:$0x1] =	wrdreg $0xFFFFFFFF  }
0xad: {  	s28 =	simm.s32 $_size_execute0_lowered;
	s5 =	sadd.s32 s5, s7;
	[dreg:$0x0] =	wrdreg $0x0  }
0xae: {  	s7 =	sshll.u32 s28, $0x1;
	[dreg:$0x2] =	wrdreg s5  }
0xaf: {  	[dreg:$0x3] =	wrdreg s7  }
0xb0: {  	[dreg:$0x4] =	wrdreg $0xC0  }
0xb1: {  	_ =	task [dreg:s9], $0x5FFFF  }
0xb2: {  	[dreg:$0x1] =	wrdreg $0xFFFFFFFF  }
0xb3: {  	[dreg:$0x0] =	wrdreg $0x60  }
0xb4: {  	[dreg:$0x2] =	wrdreg s15  }
0xb5: {  	[dreg:$0x3] =	wrdreg s16  }
0xb6: {  	[dreg:$0x4] =	wrdreg s17  }
0xb7: {  	[dreg:$0x5] =	wrdreg s24  }
0xb8: {  	[dreg:$0x6] =	wrdreg $0x9  }
0xb9: {  	_ =	task.clear_ibuf [dreg:s9], $0x7FFFF;
	_ =	strace $0x90000046  }
0xba: {  	s29 =	simm.s32 $0x9;
	_ =	strace $0x80000048  }
0xbb: {  	_ =	swait.ge [sflag:s29], $0x1  }
0xbc: {  	[sflag:s29] =	ssyncadd.s32 $0xFFFFFFFF  }
0xbd: {  	_ =	strace $0x90000048  }
0xbe: {  	_ =	sfence  }
0xbf: {  	s30 =	sld [smem:$0x0];
	_ =	sdelay $0x2  }
0xc0: {  	s31 =	sshll.u32 s1, $0xD;
	s1 =	sshrl.u32 s1, $0x2  }
0xc1: {  	s3 =	sand.u32 $0x4000, s31;
	s1 =	sadd.s32 s1, s30  }
0xc2: {  	s0 =	sor.u32 s3, s0;
	s1 =	sshll.u32 s1, $0x11  }
0xc3: {  	s0 =	sor.u32 s1, s0  }
0xc4: {  	s0 =	sadd.s32 $0x8F2B, s0  }
0xc5: {  	[sflag:s0] =	ssyncadd.remote.s32 $0x1  }
0xc6: {  	_ =	sfence.sel $0xFFFF  }
0xc7: {  	[dreg:$0x0] =	wrdreg $0xFFFFFFFF;
	(pc) =	sbr.abs _section_cstart, $3  }
0xc8: {  	[dreg:$0x1] =	wrdreg $0xFFFFFFFF  }
0xc9: {  	_ =	task.clear_ibuf [dreg:s9], $0x2FFFF;
	_ =	strace $0x9FFFFFFF  }
0xca: {  	(tm) =	ssettm $0x7FFFFFFF  }
0xcb: {  	_ =	shalt  }
tec
execute0_lowered:
.L_overlay_start_1:
0x0: {  	(tag) =	ssettag $0x1  }
0x1: {  	s0 =	rddreg [dreg:$0x0]  }
0x2: {  	s1 =	rddreg [dreg:$0x1]  }
0x3: {  	s2 =	rddreg [dreg:$0x3]  }
0x4: {  	s3 =	simm.s32 $0x0;
	s4 =	srdreg.scid;
	s11 =	stileid.u32  }
0x5: {  	s15 =	simm.s32 $0x1;
	s16 =	simm.s32 $0x2000;
	s17 =	simm.s32 $0x4000  }
0x6: {  	s18 =	simm.s32 $0x6000;
	s19 =	simm.s32 $0xC280;
	s21 =	simm.s32 $0x8000  }
0x7: {  	s22 =	simm.s32 $0xA000;
	s23 =	simm.s32 $0xC000;
	s24 =	simm.s32 $0xC080  }
0x8: {  	[smem:$0x7FF] =	sst s3;
	s6 =	sand.u32 $0x1, s4;
	s8 =	sshrl.u32 s11, $0x2  }
0x9: {  	s25 =	sadd.s32 $0x1200, s2;
	s5 =	sadd.s32 $0x5200, s2;
	s29 =	sshll.u32 s11, $0xA  }
0xa: {  	_ =	strace $0x80000047;
	s7 =	ssub.s32 $0x2, s6;
	s10 =	sshll.u32 s8, $0xC  }
0xb: {  	[dreg:$0x5] =	wrdreg s25;
	s6 =	sshll.u32 s6, $0x9;
	s28 =	sadd.s32 s0, s10  }
0xc: {  	s9 =	sshrl.u32 s7, $0x1;
	s0 =	sadd.s32 $0x10, s28;
	[dreg:$0x6] =	wrdreg s28  }
.Ltmp0:
0xd: {  	s30 =	sadd.s32 $0x20, s28;
	[dreg:$0x7] =	wrdreg s0;
	(pc) =	sbr.rel .LBB2_1-.Ltmp0, $4  }
0xe: {  	s10 =	sor.u32 s6, s29;
	s4 =	sadd.s32 $0x30, s28;
	[dreg:$0x8] =	wrdreg s30  }
0xf: {  	s26 =	ssub.s32 s7, s9;
	[dreg:$0x9] =	wrdreg s4;
	s0 =	sadd.s32 s1, s10  }
0x10: {  	v1 =	vlaneseq.u32;
	v2 =	vimm.s32 $0x0;
	v3 =	vimm.s32 $0x7FFFFFFF;
	s25 =	simm.s32 $0xC100;
	s31 =	smax.u32 s26, $0x1;
	[dreg:$0xa] =	wrdreg s0  }
0x11: {  	v4 =	vor.u32 $0x10, v1;
	v5 =	vor.u32 $0x20, v1;
	v0 =	vmov s8;
	s26 =	simm.s32 $0xC180;
	s1 =	simm.s32 $0x0;
	[dreg:$0xb] =	wrdreg s31  }
.LBB2_28:
0x12: {  	s1 =	rddreg [dreg:$0xc]  }
0x13: {  	s0 =	rddreg [dreg:$0xb];
	s1 =	sadd.s32 $0x1, s1  }
0x14: {  	p0 =	sne.s32 s1, s0  }
.Ltmp1:
0x15: {  	_ = 	snop;
	(pc) =	sbr.rel @!p0 .LBB2_29-.Ltmp1, $1  }
0x16: {  	_ =	sdelay $0x3  }
.LBB2_1:
0x17: {  	[dreg:$0xc] =	wrdreg s1  }
0x18: {  	s0 =	rddreg [dreg:$0x6];
	s12 =	simm.s32 $0x80;
	s2 =	simm.s32 $0x200  }
0x19: {  	[tilespmem:s3], [sflag:$0x1] =	stream.strided.gather [hbm4b:s0+s12], $0x2000, s2, s12, $0x38;
	[tilespmem:$0xD300] =	vst v63  }
0x1a: {  	_ =	swait.ge [sflag:s15], $0x2000  }
0x1b: {  	[sflag:s15] =	ssyncset.done $0x0  }
0x1c: {  	s13 =	rddreg [dreg:$0x7];
	[sflag:s15] =	ssyncadd.s32 $0xFFFFE000  }
0x1d: {  	[tilespmem:s16], [sflag:$0x1] =	stream.strided.gather [hbm4b:s13+s12], $0x2000, s2, s12, $0x38;
	[tilespmem:$0xD300] =	vst v63  }
0x1e: {  	_ =	swait.ge [sflag:s15], $0x2000  }
0x1f: {  	[sflag:s15] =	ssyncset.done $0x0  }
0x20: {  	s14 =	rddreg [dreg:$0x8];
	[sflag:s15] =	ssyncadd.s32 $0xFFFFE000  }
0x21: {  	[tilespmem:s17], [sflag:$0x1] =	stream.strided.gather [hbm4b:s14+s12], $0x2000, s2, s12, $0x38;
	[tilespmem:$0xD300] =	vst v63  }
0x22: {  	_ =	swait.ge [sflag:s15], $0x2000  }
0x23: {  	[sflag:s15] =	ssyncset.done $0x0  }
0x24: {  	s20 =	rddreg [dreg:$0x9];
	[sflag:s15] =	ssyncadd.s32 $0xFFFFE000  }
0x25: {  	[tilespmem:s18], [sflag:$0x1] =	stream.strided.gather [hbm4b:s20+s12], $0x2000, s2, s12, $0x38;
	[tilespmem:$0xD300] =	vst v63  }
0x26: {  	_ =	swait.ge [sflag:s15], $0x2000  }
0x27: {  	[sflag:s15] =	ssyncset.done $0x0  }
0x28: {  	s28 =	rddreg [dreg:$0xa];
	[sflag:s15] =	ssyncadd.s32 $0xFFFFE000  }
0x29: {  	[tilespmem:s19], [sflag:$0x1] =	stream.linear.gather [hbm4b:s28+s3], $0x1000, $0x38;
	[tilespmem:$0xD300] =	vst v63  }
0x2a: {  	_ =	swait.ge [sflag:s15], $0x1000  }
0x2b: {  	[sflag:s15] =	ssyncset.done $0x0  }
0x2c: {  	[sflag:s15] =	ssyncadd.s32 $0xFFFFF000  }
0x2d: {  	s31 =	simm.s32 $0xD280;
	s29 =	rddreg [dreg:$0x2]  }
0x2e: {  	[tilespmem:s31], [sflag:$0x1] =	stream.linear.gather [hbm4b:s29+s3], $0x80, $0x38;
	[tilespmem:$0xD300] =	vst v63  }
0x2f: {  	_ =	swait.ge [sflag:s15], $0x80  }
0x30: {  	[sflag:s15] =	ssyncset.done $0x0  }
0x31: {  	[sflag:s15] =	ssyncadd.s32 $0xFFFFFF80  }
0x32: {  	s30 =	simm.s32 $0x0;
	v6 =	vld.idx.msk [tilespmem:v0+s31+$0x0], $0xffff  }
.LBB2_2:
0x33: {  	s1 =	simm.s32 $0x20  }
0x34: {  	s14 =	simm.s32 $0x2020;
	v12 =	vld [tilespmem:s1+$0xFFFFFFF0]  }
0x35: {  	s0 =	sshll.u32 s30, $0x7;
	v13 =	vld [tilespmem:s14+$0xFFFFFFF0]  }
0x36: {  	v7 =	vmov s0;
	v14 =	vld [tilespmem:s1+$0xFFFFFFE0]  }
0x37: {  	s6 =	simm.s32 $0x60;
	v18 =	vld [tilespmem:s1+$0x0]  }
0x38: {  	v23 =	vld [tilespmem:s6+$0x10];
	v8 =	vor.u32 $0x1, v7  }
0x39: {  	s12 =	simm.s32 $0xA0;
	v26 =	vld [tilespmem:s6+$0xFFFFFFF0];
	v10 =	vor.u32 $0x2, v7  }
0x3a: {  	v40 =	vld [tilespmem:s12+$0xFFFFFFF0]  }
0x3b: {  	v9 =	vld.idx.msk [tilespmem:v7+s19+$0x0], $0xffff  }
0x3c: {  	v42 =	vld [tilespmem:s12+$0xFFFFFFE0]  }
0x3d: {  	v8 =	vld.idx.msk [tilespmem:v8+s19+$0x0], $0xffff  }
0x3e: {  	v7 =	vld.idx.msk [tilespmem:v10+s19+$0x0], $0xffff  }
0x3f: {  	s2 =	simm.s32 $0x4020;
	v10 =	vld [tilespmem:s14+$0xFFFFFFE0]  }
0x40: {  	v15 =	vld [tilespmem:s2+$0xFFFFFFF0];
	v12 =	vsub.f32 v9, v12  }
0x41: {  	s29 =	simm.s32 $0x0;
	v16 =	vld [tilespmem:s2+$0xFFFFFFE0];
	v14 =	vsub.f32 v9, v14;
	v20 =	vsub.f32 v9, v18  }
0x42: {  	s7 =	simm.s32 $0x20;
	v17 =	vld [tilespmem:s14+$0x0];
	v22 =	vor.u32 s29, v1;
	v23 =	vsub.f32 v9, v23;
	v26 =	vsub.f32 v9, v26  }
0x43: {  	v11 =	vld [tilespmem:s14+$0x10];
	v30 =	vor.u32 s7, v1;
	v40 =	vsub.f32 v9, v40;
	v13 =	vsub.f32 v8, v13  }
0x44: {  	v19 =	vld [tilespmem:s2+$0x0];
	vm2 =	vlt.s32 v22, v6;
	v42 =	vsub.f32 v9, v42;
	v10 =	vsub.f32 v8, v10  }
0x45: {  	v15 =	vsub.f32 v7, v15;
	v12 =	vmul.f32 v12, v12;
	v13 =	vmul.f32 v13, v13  }
0x46: {  	s0 =	simm.s32 $0x40A0;
	v16 =	vsub.f32 v7, v16;
	v14 =	vmul.f32 v14, v14;
	v10 =	vmul.f32 v10, v10  }
0x47: {  	v35 =	vld [tilespmem:s0+$0x0];
	v17 =	vsub.f32 v8, v17;
	v15 =	vmul.f32 v15, v15;
	v12 =	vadd.f32 v13, v12  }
0x48: {  	v39 =	vld [tilespmem:s0+$0xFFFFFFF0];
	v11 =	vsub.f32 v8, v11;
	v16 =	vmul.f32 v16, v16;
	v10 =	vadd.f32 v10, v14  }
0x49: {  	s20 =	simm.s32 $0x10;
	v19 =	vsub.f32 v7, v19;
	v17 =	vmul.f32 v17, v17;
	v13 =	vld [tilespmem:s1+$0x10];
	v18 =	vadd.f32 v15, v12  }
0x4a: {  	s31 =	simm.s32 $0x4060;
	v14 =	vld [tilespmem:s2+$0x10];
	v12 =	vmul.f32 v20, v20;
	v20 =	vor.u32 s20, v1;
	v24 =	vadd.f32 v16, v10  }
0x4b: {  	s28 =	simm.s32 $0x2060;
	v19 =	vmul.f32 v19, v19;
	v15 =	vld [tilespmem:s31+$0x10];
	vm0 =	vlt.s32 v20, v6;
	vm1 =	vle.f32 v18, $3.999999910e-02  }
0x4c: {  	v16 =	vld [tilespmem:s28+$0x10];
	vm3 =	vle.f32 v24, $3.999999910e-02;
	v12 =	vadd.f32 v17, v12;
	vm0 =	vmand vm0, vm1  }
0x4d: {  	v35 =	vsub.f32 v7, v35;
	v10 =	vld [tilespmem:s28+$0xFFFFFFE0];
	vm1 =	vmand vm2, vm3;
	v21 =	vsel vm0, $0x1, v2  }
0x4e: {  	v13 =	vsub.f32 v9, v13;
	v17 =	vsel vm1, $0x1, v2;
	v25 =	vadd.f32 v19, v12;
	v19 =	vld [tilespmem:s31+$0xFFFFFFF0];
	(xrf0) =	vadd.scan.msk.s32 $0xffff, v21  }
0x4f: {  	v39 =	vsub.f32 v7, v39;
	v23 =	vmul.f32 v23, v23;
	v26 =	vmul.f32 v26, v26;
	v12 =	vld [tilespmem:s28+$0x0];
	(xrf0) =	vadd.scan.msk.s32 $0xffff, v17  }
0x50: {  	v31 =	vld [tilespmem:s28+$0xFFFFFFF0];
	v11 =	vmul.f32 v11, v11;
	v14 =	vsub.f32 v7, v14;
	v13 =	vmul.f32 v13, v13  }
0x51: {  	v40 =	vmul.f32 v40, v40;
	v28 =	vsub.f32 v7, v15;
	v15 =	vsub.f32 v8, v16;
	v17 =	vld [tilespmem:s6+$0x0]  }
0x52: {  	v62 =	vmul.f32 v42, v42;
	v16 =	vld [tilespmem:s6+$0xFFFFFFE0];
	v14 =	vmul.f32 v14, v14;
	v13 =	vadd.f32 v11, v13  }
0x53: {  	v21 =	vld [tilespmem:s31+$0x0];
	v11 =	vsub.f32 v8, v10;
	v15 =	vmul.f32 v15, v15;
	v19 =	vsub.f32 v7, v19  }
0x54: {  	v33 =	vld [tilespmem:s31+$0xFFFFFFE0];
	vm2 =	vlt.s32 v30, v6;
	v12 =	vsub.f32 v8, v12;
	v13 =	vadd.f32 v14, v13;
	v29, _, _ =	vpop (xrf0)  }
0x55: {  	vm3 =	vle.f32 v25, $3.999999910e-02;
	v23 =	vadd.f32 v15, v23;
	v32, _, _ =	vpop (xrf0);
	(v2sf) =	vpush v29, $0xF  }
0x56: {  	vm4 =	vmand vm2, vm3;
	v17 =	vsub.f32 v9, v17;
	(v2sf) =	vpush v32, $0xF  }
0x57: {  	v27 =	vmul.f32 v11, v11;
	v14 =	vsub.f32 v9, v16;
	v16 =	vsub.f32 v8, v31  }
0x58: {  	v21 =	vsub.f32 v7, v21;
	v12 =	vmul.f32 v12, v12;
	v15 =	vmul.f32 v17, v17  }
0x59: {  	v31 =	vsub.f32 v7, v33;
	v16 =	vmul.f32 v16, v16;
	v14 =	vmul.f32 v14, v14  }
0x5a: {  	v17 =	vmul.f32 v21, v21;
	v21 =	vsel vm4, $0x1, v2;
	v12 =	vadd.f32 v12, v15  }
0x5b: {  	v61 =	vmul.f32 v39, v39;
	v19 =	vmul.f32 v19, v19;
	(xrf0) =	vadd.scan.msk.s32 $0xffff, v21;
	v21 =	vadd.f32 v16, v26  }
0x5c: {  	s7 =	simm.s32 $0x30;
	v26 =	vmul.f32 v31, v31;
	v15 =	vadd.f32 v17, v12;
	v12 =	vadd.f32 v27, v14  }
0x5d: {  	s9 =	simm.s32 $0x50;
	vm5 =	vmmov vm0;
	v11 =	vor.u32 s7, v1;
	v17 =	vadd.f32 v19, v21  }
0x5e: {  	s8 =	simm.s32 $0x40;
	s11 =	simm.s32 $0x20A0;
	vm9 =	vlt.s32 v11, v6;
	v14 =	vor.u32 s9, v1;
	v19 =	vadd.f32 v26, v12  }
0x5f: {  	v16 =	vor.u32 s8, v1;
	v21 =	vld [tilespmem:s11+$0xFFFFFFE0];
	vm3 =	vlt.s32 v14, v6;
	vm10 =	vle.f32 v17, $3.999999910e-02  }
0x60: {  	vm8 =	vlt.s32 v16, v6;
	vm3 =	vmand vm3, vm10;
	vm0 =	vle.f32 v19, $3.999999910e-02  }
0x61: {  	vm6 =	vle.f32 v13, $3.999999910e-02;
	v26, _, _ =	vpop (xrf0);
	v12 =	vsel vm3, $0x1, v2;
	vm0 =	vmand vm8, vm0  }
0x62: {  	v31 =	vld [tilespmem:s11+$0x10];
	(v2sf) =	vpush v26, $0xF;
	vm8 =	vmand vm9, vm6;
	(xrf0) =	vadd.scan.msk.s32 $0xffff, v12;
	v34 =	vsel vm0, $0x1, v2  }
0x63: {  	s4 =	simm.s32 $0x60;
	v51 =	vsel vm1, $0xFFFFFFFF, v2;
	v28 =	vmul.f32 v28, v28;
	v36 =	vsel vm8, $0x1, v2;
	(xrf0) =	vadd.scan.msk.s32 $0xffff, v34  }
0x64: {  	v53 =	vsel vm5, $0xFFFFFFFF, v2;
	v10 =	vor.u32 s4, v1;
	v21 =	vsub.f32 v8, v21;
	(xrf0) =	vadd.scan.msk.s32 $0xffff, v36;
	s8 =	spop (v2sf)  }
0x65: {  	s28 =	simm.s32 $0x70;
	vm2 =	vlt.s32 v10, v6;
	v33 =	vadd.s32 s29, v51;
	v28 =	vadd.f32 v28, v23;
	s14 =	spop (v2sf)  }
0x66: {  	v52 =	vld [tilespmem:s12+$0x0];
	v23 =	vor.u32 s28, v1;
	v32 =	vadd.s32 v32, v33;
	vm6 =	vmmov vm4;
	s20 =	sadd.s32 $0x0, s14  }
0x67: {  	v55 =	vld [tilespmem:s11+$0x0];
	v31 =	vsub.f32 v8, v31;
	v38 =	vsel vm6, $0xFFFFFFFF, v2;
	v54 =	vadd.s32 s20, v53;
	s1 =	sadd.s32 s20, s8  }
0x68: {  	v27 =	vld [tilespmem:s0+$0x10];
	v56 =	vmul.f32 v21, v21;
	v21, _, _ =	vpop (xrf0);
	v33 =	vadd.s32 v29, v54;
	v29 =	vadd.s32 s1, v38  }
0x69: {  	v37 =	vld [tilespmem:s12+$0x10];
	vm9 =	vmmov vm1;
	(v2sf) =	vpush v21, $0xF;
	v41 =	vadd.s32 v26, v29;
	v26, _, _ =	vpop (xrf0)  }
0x6a: {  	v57 =	vld [tilespmem:s11+$0xFFFFFFF0];
	vm11 =	vlt.s32 v23, v6;
	vm7 =	vle.f32 v15, $3.999999910e-02;
	(v2sf) =	vpush v26, $0xF;
	v43, _, _ =	vpop (xrf0)  }
0x6b: {  	s13 =	simm.s32 $0xA0;
	v44 =	vld [tilespmem:s0+$0xFFFFFFE0];
	vm2 =	vmand vm2, vm7;
	v31 =	vmul.f32 v31, v31;
	(v2sf) =	vpush v43, $0xF  }
0x6c: {  	v59 =	vsel vm2, $0x1, v2;
	v12 =	vor.u32 s13, v1;
	v34 =	vsub.f32 v9, v52  }
0x6d: {  	v27 =	vsub.f32 v7, v27;
	vm4 =	vlt.s32 v12, v6;
	v36 =	vsub.f32 v8, v55  }
0x6e: {  	v34 =	vmul.f32 v34, v34;
	v63 =	vadd.f32 v56, v62;
	v29 =	vsub.f32 v9, v37  }
0x6f: {  	vm3 =	vmmov vm3;
	v36 =	vmul.f32 v36, v36;
	[tilespmem:v32+s21+$0x0] =	vst.idx.msk vm9, v24;
	v37 =	vsub.f32 v8, v57  }
0x70: {  	vm1 =	vmmov vm8;
	[tilespmem:v32+s22+$0x0] =	vst.idx.msk vm9, v22;
	v22 =	vsub.f32 v7, v44;
	v29 =	vmul.f32 v29, v29  }
0x71: {  	v24 =	vmul.f32 v35, v35;
	(xrf0) =	vadd.scan.msk.s32 $0xffff, v59;
	v58 =	vadd.f32 v36, v34;
	v60 =	vmul.f32 v37, v37;
	s29 =	spop (v2sf)  }
0x72: {  	v22 =	vmul.f32 v22, v22;
	v29 =	vadd.f32 v31, v29;
	v31 =	vsel vm1, $0xFFFFFFFF, v2;
	[tilespmem:v33+s21+$0x0] =	vst.idx.msk vm5, v18;
	s9 =	sadd.s32 s1, s29  }
0x73: {  	vm8 =	vle.f32 v28, $3.999999910e-02;
	[tilespmem:v33+s22+$0x0] =	vst.idx.msk vm5, v20;
	v20 =	vadd.f32 v60, v40;
	v31 =	vadd.s32 s9, v31  }
0x74: {  	s31 =	simm.s32 $0x90;
	v22 =	vadd.f32 v22, v63;
	v18 =	vadd.f32 v24, v58;
	s1 =	simm.s32 $0x80;
	v31 =	vadd.s32 v43, v31  }
0x75: {  	s2 =	simm.s32 $0x8;
	[tilespmem:v41+s21+$0x0] =	vst.idx.msk vm6, v25;
	v25 =	vor.u32 s31, v1;
	v24 =	vor.u32 s1, v1;
	v20 =	vadd.f32 v61, v20  }
0x76: {  	s7 =	simm.s32 $0xC0;
	s8 =	simm.s32 $0xE0;
	s20 =	simm.s32 $0x20E0;
	[tilespmem:v41+s22+$0x0] =	vst.idx.msk vm6, v30;
	vm10 =	vlt.s32 v25, v6;
	vm7 =	vle.f32 v18, $3.999999910e-02;
	vm9 =	vlt.s32 v24, v6  }
.LBB2_3:
0x77: {  	vm5 =	vle.f32 v20, $3.999999910e-02;
	v32 =	vsel vm0, $0xFFFFFFFF, v2  }
0x78: {  	v30 =	vld [tilespmem:s20+$0xFFFFFFE0];
	s6 =	sadd.s32 $0x20, s7;
	s0 =	sadd.s32 $0x40, s0;
	vm11 =	vmand vm11, vm8;
	s11 =	spop (v2sf);
	v33, _, _ =	vpop (xrf0);
	vm8 =	vmmov vm0;
	vm6 =	vmmov vm2  }
0x79: {  	s2 =	sadd.s32 $0x4, s2;
	v34 =	vor.u32 s6, v1;
	v35 =	vld [tilespmem:s0+$0x10];
	vm0 =	vle.f32 v22, $3.999999910e-02;
	vm5 =	vmand vm10, vm5;
	s6 =	spop (v2sf);
	[tilespmem:v31+s21+$0x0] =	vst.idx.msk vm1, v13;
	v13 =	vmovc v28  }
0x7a: {  	p0 =	slt.u32 s2, $0x1FC;
	v28 =	vld [tilespmem:s20+$0x10];
	vm0 =	vmand vm9, vm0;
	v36 =	vsel vm5, $0x1, v2;
	(v2sf) =	vpush v33, $0xF;
	[tilespmem:v31+s22+$0x0] =	vst.idx.msk vm1, v11;
	s12 =	spop (v2sf);
	v11 =	vmovc v23  }
0x7b: {  	v37 =	vsel vm11, $0x1, v2;
	v23 =	vld [tilespmem:s8+$0x10];
	v31 =	vsel vm0, $0x1, v2;
	(xrf0) =	vadd.scan.msk.s32 $0xffff, v36;
	v36 =	vsel vm6, $0xFFFFFFFF, v2;
	s9 =	sadd.s32 s9, s12  }
0x7c: {  	vm1 =	vmmov vm11;
	v38 =	vld [tilespmem:s0+$0x0];
	(xrf0) =	vadd.scan.msk.s32 $0xffff, v31;
	v31 =	vadd.s32 s9, v32;
	s6 =	sadd.s32 s9, s6;
	v32 =	vsel vm3, $0xFFFFFFFF, v2  }
0x7d: {  	v30 =	vsub.f32 v8, v30;
	v39 =	vld [tilespmem:s8+$0x0];
	v31 =	vadd.s32 v26, v31;
	v26 =	vadd.s32 s6, v32;
	s6 =	sadd.s32 s6, s11;
	(xrf0) =	vadd.scan.msk.s32 $0xffff, v37  }
0x7e: {  	v32 =	vld [tilespmem:s20+$0x0];
	v35 =	vsub.f32 v7, v35;
	v37 =	vadd.s32 v21, v26;
	v21 =	vadd.s32 s6, v36  }
0x7f: {  	v30 =	vmul.f32 v30, v30;
	v36 =	vld [tilespmem:s0+$0xFFFFFFF0];
	v28 =	vsub.f32 v8, v28;
	v33 =	vadd.s32 v33, v21  }
0x80: {  	v40 =	vld [tilespmem:s0+$0xFFFFFFE0]  }
0x81: {  	v41 =	vld [tilespmem:s8+$0xFFFFFFF0];
	v38 =	vsub.f32 v7, v38;
	v21, _, _ =	vpop (xrf0)  }
0x82: {  	vm2 =	vmand vm4, vm7;
	s9 =	sadd.s32 $0x30, s1;
	s1 =	smov.u32 s7;
	v42 =	vld [tilespmem:s8+$0xFFFFFFE0];
	v39 =	vsub.f32 v9, v39;
	v26, _, _ =	vpop (xrf0);
	(v2sf) =	vpush v21, $0xF;
	[tilespmem:v31+s21+$0x0] =	vst.idx.msk vm8, v19  }
0x83: {  	v43 =	vsub.f32 v9, v23;
	v23 =	vor.u32 s9, v1;
	v19 =	vld [tilespmem:s20+$0xFFFFFFF0];
	(v2sf) =	vpush v26, $0xF;
	[tilespmem:v31+s22+$0x0] =	vst.idx.msk vm8, v16;
	v31, _, _ =	vpop (xrf0)  }
0x84: {  	v44 =	vmul.f32 v27, v27;
	v36 =	vsub.f32 v7, v36;
	[tilespmem:v37+s21+$0x0] =	vst.idx.msk vm3, v17;
	(v2sf) =	vpush v31, $0xF  }
0x85: {  	v27 =	vmovc v35;
	v17 =	vsub.f32 v8, v32;
	v32 =	vmul.f32 v43, v43;
	v43 =	vmul.f32 v28, v28  }
0x86: {  	v28 =	vadd.f32 v44, v29;
	v35 =	vsub.f32 v9, v41;
	[tilespmem:v37+s22+$0x0] =	vst.idx.msk vm3, v14;
	v37 =	vsel vm1, $0xFFFFFFFF, v2  }
0x87: {  	v16 =	vmovc v24;
	v17 =	vmul.f32 v17, v17;
	v29 =	vadd.f32 v43, v32;
	v41 =	vsub.f32 v9, v42  }
0x88: {  	v24 =	vmul.f32 v39, v39;
	v14 =	vmovc v25;
	v19 =	vsub.f32 v8, v19;
	v32 =	vmul.f32 v35, v35  }
0x89: {  	vm4 =	vlt.s32 v34, v6;
	v25 =	vmul.f32 v38, v38;
	vm8 =	vle.f32 v28, $3.999999910e-02;
	[tilespmem:v33+s21+$0x0] =	vst.idx.msk vm6, v15;
	s9 =	spop (v2sf)  }
0x8a: {  	v39 =	vsub.f32 v7, v40;
	v40 =	vadd.f32 v17, v24;
	v24 =	vsel vm2, $0x1, v2;
	[tilespmem:v33+s22+$0x0] =	vst.idx.msk vm6, v10;
	s9 =	sadd.s32 s6, s9  }
0x8b: {  	v42 =	vmul.f32 v19, v19;
	v33 =	vmul.f32 v36, v36;
	v10 =	vmovc v12;
	(xrf0) =	vadd.scan.msk.s32 $0xffff, v24;
	v35 =	vadd.s32 s9, v37  }
.Ltmp2:
0x8c: {  	v36 =	vmul.f32 v41, v41;
	v38 =	vadd.f32 v25, v40;
	v12 =	vmovc v34;
	v37 =	vmul.f32 v39, v39;
	(pc) =	sbr.rel @p0 .LBB2_3-.Ltmp2, $4  }
0x8d: {  	v15 =	vmovc v18;
	s6 =	sadd.s32 $0x10, s7;
	v17 =	vmovc v20;
	v24 =	vor.u32 s7, v1;
	v32 =	vadd.f32 v42, v32;
	v31 =	vadd.s32 v31, v35  }
0x8e: {  	v25 =	vor.u32 s6, v1;
	v30 =	vadd.f32 v30, v36;
	vm9 =	vlt.s32 v24, v6;
	v18 =	vmovc v38;
	v19 =	vmovc v22  }
0x8f: {  	vm10 =	vlt.s32 v25, v6;
	vm7 =	vle.f32 v18, $3.999999910e-02;
	v20 =	vadd.f32 v33, v32  }
0x90: {  	vm11 =	vlt.s32 v23, v6;
	s8 =	sadd.s32 $0x40, s8;
	s20 =	sadd.s32 $0x40, s20;
	vm3 =	vmmov vm5;
	s7 =	sadd.s32 $0x40, s7;
	v22 =	vadd.f32 v37, v30  }
0x91: {  	vm5 =	vle.f32 v20, $3.999999910e-02  }
0x92: {  	vm5 =	vmand vm10, vm5;
	vm6 =	vle.f32 v22, $3.999999910e-02  }
0x93: {  	v27 =	vmul.f32 v27, v27;
	vm6 =	vmand vm9, vm6;
	v30 =	vsel vm5, $0x1, v2  }
0x94: {  	vm8 =	vmand vm11, vm8;
	v32 =	vsel vm6, $0x1, v2;
	(xrf0) =	vadd.scan.msk.s32 $0xffff, v30  }
0x95: {  	s0 =	sadd.s32 $0x30, s1;
	v51 =	vsel vm8, $0x1, v2;
	v27 =	vadd.f32 v27, v29;
	(xrf0) =	vadd.scan.msk.s32 $0xffff, v32  }
0x96: {  	v52 =	vor.u32 s0, v1;
	(xrf0) =	vadd.scan.msk.s32 $0xffff, v51  }
0x97: {  	vm7 =	vmand vm4, vm7;
	vm14 =	vlt.s32 v52, v6;
	vm13 =	vle.f32 v27, $3.999999910e-02  }
0x98: {  	v53 =	vsel vm7, $0x1, v2;
	vm4 =	vmand vm14, vm13  }
0x99: {  	v54, _, _ =	vpop (xrf0);
	(xrf0) =	vadd.scan.msk.s32 $0xffff, v53;
	v55 =	vsel vm4, $0x1, v2  }
0x9a: {  	(v2sf) =	vpush v54, $0xF;
	v33, _, _ =	vpop (xrf0);
	(xrf0) =	vadd.scan.msk.s32 $0xffff, v55  }
0x9b: {  	v56, _, _ =	vpop (xrf0);
	(v2sf) =	vpush v33, $0xF  }
0x9c: {  	(v2sf) =	vpush v56, $0xF;
	v34, _, _ =	vpop (xrf0)  }
0x9d: {  	(v2sf) =	vpush v34, $0xF;
	_ =	sdelay $0x1  }
0x9e: {  	v35, _, _ =	vpop (xrf0)  }
0x9f: {  	(v2sf) =	vpush v35, $0xF;
	v36, _, _ =	vpop (xrf0)  }
0xa0: {  	(v2sf) =	vpush v36, $0xF;
	_ =	sdelay $0x3  }
0xa1: {  	s28 =	spop (v2sf)  }
0xa2: {  	s29 =	spop (v2sf)  }
0xa3: {  	s2 =	spop (v2sf)  }
0xa4: {  	v37 =	vsel vm0, $0xFFFFFFFF, v2;
	s2 =	sadd.s32 s9, s2  }
0xa5: {  	vm15 =	vmmov vm0;
	v37 =	vadd.s32 s2, v37;
	s6 =	spop (v2sf)  }
0xa6: {  	v57 =	vsel vm3, $0xFFFFFFFF, v2;
	s1 =	sadd.s32 s2, s29;
	v26 =	vadd.s32 v26, v37;
	s7 =	spop (v2sf)  }
0xa7: {  	vm2 =	vmmov vm2;
	s0 =	sadd.s32 s1, s28;
	v37 =	vadd.s32 s1, v57;
	s4 =	spop (v2sf)  }
0xa8: {  	v58 =	vsel vm2, $0xFFFFFFFF, v2;
	v21 =	vadd.s32 v21, v37;
	s6 =	sadd.s32 s0, s6;
	s8 =	spop (v2sf)  }
0xa9: {  	[tilespmem:v31+s21+$0x0] =	vst.idx.msk vm1, v13;
	vm11 =	vmmov vm8;
	v59 =	vadd.s32 s0, v58;
	s8 =	sadd.s32 s6, s8  }
0xaa: {  	[tilespmem:v31+s22+$0x0] =	vst.idx.msk vm1, v11;
	v60 =	vsel vm11, $0xFFFFFFFF, v2;
	v11 =	vadd.s32 v54, v59;
	s2 =	sadd.s32 s8, s4  }
0xab: {  	[tilespmem:v26+s21+$0x0] =	vst.idx.msk vm15, v19;
	v13 =	vadd.s32 s6, v60;
	s9 =	spop (v2sf);
	s7 =	sadd.s32 s2, s7  }
0xac: {  	v61 =	vsel vm6, $0xFFFFFFFF, v2;
	[tilespmem:v26+s22+$0x0] =	vst.idx.msk vm15, v16;
	v13 =	vadd.s32 v34, v13;
	s11 =	sadd.s32 s7, s9;
	s12 =	spop (v2sf)  }
0xad: {  	vm12 =	vmmov vm5;
	[tilespmem:v21+s21+$0x0] =	vst.idx.msk vm3, v17;
	v16 =	vadd.s32 s8, v61;
	s0 =	sadd.s32 s11, s12  }
0xae: {  	v62 =	vsel vm12, $0xFFFFFFFF, v2;
	[tilespmem:v21+s22+$0x0] =	vst.idx.msk vm3, v14;
	v16 =	vadd.s32 v56, v16;
	s13 =	sadd.s32 $0xF, s0  }
0xaf: {  	vm14 =	vmmov vm7;
	[tilespmem:v11+s21+$0x0] =	vst.idx.msk vm2, v15;
	v14 =	vadd.s32 s2, v62;
	s14 =	sand.u32 $0xF, s13  }
0xb0: {  	[tilespmem:v11+s22+$0x0] =	vst.idx.msk vm2, v10;
	v10 =	vsel vm14, $0xFFFFFFFF, v2;
	v11 =	vadd.s32 v33, v14;
	s20 =	sshra.s32 s13, $0x1F;
	p0 =	slt.s32 s13, $0x1;
	p1 =	sne.s32 s14, $0x0  }
0xb1: {  	vm15 =	vmmov vm4;
	[tilespmem:v13+s21+$0x0] =	vst.idx.msk vm8, v28;
	v10 =	vadd.s32 s7, v10;
	s28 =	sshrl.u32 s20, $0x1C;
	p0 =	por !p0, !p1  }
0xb2: {  	v63 =	vsel vm15, $0xFFFFFFFF, v2;
	[tilespmem:v13+s22+$0x0] =	vst.idx.msk vm8, v23;
	s2 =	simm.s32 $0x1;
	v10 =	vadd.s32 v35, v10;
	s1 =	sadd.s32 s28, s13;
	p0 =	por !p0, !p0  }
0xb3: {  	v13 =	vadd.s32 s11, v63;
	[tilespmem:v16+s21+$0x0] =	vst.idx.msk vm6, v22;
	s1 =	sshra.s32 s1, $0x4;
	s2 =	simm.s32 @!p0 $0x0  }
0xb4: {  	v13 =	vadd.s32 v36, v13;
	[tilespmem:v16+s22+$0x0] =	vst.idx.msk vm6, v24;
	s2 =	ssub.s32 s1, s2  }
0xb5: {  	s12 =	simm.s32 $0x3D23D70B;
	[tilespmem:v11+s21+$0x0] =	vst.idx.msk vm12, v20;
	s1 =	sshrl.u32 s2, $0x1E  }
.Ltmp3:
0xb6: {  	s11 =	simm.s32 $0x0;
	[tilespmem:v11+s22+$0x0] =	vst.idx.msk vm12, v25;
	s1 =	sadd.s32 s1, s2;
	(pc) =	sbr.rel .LBB2_5-.Ltmp3, $4  }
0xb7: {  	s31 =	smov.u32 s0;
	[tilespmem:v10+s21+$0x0] =	vst.idx.msk vm7, v18;
	p0 =	slt.s32 s0, $0x40;
	s20 =	sand.u32 $0xFFFFFFFC, s1  }
0xb8: {  	[tilespmem:v10+s22+$0x0] =	vst.idx.msk vm7, v12;
	s31 =	simm.s32 @!p0 $0x40;
	s1 =	sshll.u32 s20, $0x6;
	s29 =	ssub.s32 s2, s20  }
0xb9: {  	[tilespmem:v13+s21+$0x0] =	vst.idx.msk vm4, v27;
	s8 =	sshll.u32 s20, $0x4;
	p1 =	slt.s32 s20, $0x1;
	s1 =	sshra.s32 s1, $0x2  }
0xba: {  	vm13 =	vmmov vm6;
	v10 =	vmov s0;
	[tilespmem:v13+s22+$0x0] =	vst.idx.msk vm4, v52;
	p0 =	slt.s32 s29, $0x1;
	s7 =	sadd.s32 $0x8000, s1;
	s1 =	simm.s32 $0x0  }
.LBB2_8:
0xbb: {  	(xrf0) =	vadd.scan.msk.s32 $0xffff, v12;
	_ =	sdelay $0x5  }
0xbc: {  	v11, _, _ =	vpop (xrf0)  }
0xbd: {  	(v2sf) =	vpush v11, $0xF;
	_ =	sdelay $0xb  }
0xbe: {  	s11 =	sadd.s32 $0x1, s11  }
0xbf: {  	p3 =	sne.s32 s11, $0x1F  }
.Ltmp4:
0xc0: {  	_ = 	snop;
	(pc) =	sbr.rel @!p3 .LBB2_9-.Ltmp4, $4  }
0xc1: {  	s4 =	spop (v2sf)  }
0xc2: {  	p2 =	slt.s32 s4, s31  }
0xc3: {  	s4 =	sadd.s32 $0x1, s9;
	s9 =	smov.u32 @p2 s12  }
0xc4: {  	s1 =	smov.u32 @p2 s4;
	s12 =	smov.u32 s9  }
.LBB2_5:
0xc5: {  	s6 =	sadd.s32 s1, s12  }
0xc6: {  	s9 =	sand.u32 $0x1, s6  }
0xc7: {  	p2 =	slt.s32 s6, $0x1;
	p3 =	seq.s32 s9, $0x1  }
.Ltmp5:
0xc8: {  	s29 =	sshrl.u32 s6, $0x1F;
	p2 =	por !p2, !p3;
	(pc) =	sbr.rel @p1 .LBB2_6-.Ltmp5, $4  }
0xc9: {  	s6 =	sadd.s32 s29, s6;
	s9 =	simm.s32 $0x1;
	p2 =	por !p2, !p2  }
0xca: {  	s6 =	sshra.s32 s6, $0x1;
	s9 =	simm.s32 @!p2 $0x0  }
0xcb: {  	s9 =	ssub.s32 s6, s9  }
0xcc: {  	v12 =	vimm.s32 $0x0;
	v11 =	vmov s9  }
0xcd: {  	s14 =	simm.s32 $0x8020  }
0xce: {  	v13 =	vld [tilespmem:s14+$0xFFFFFFE0];
	_ =	sdelay $0x2  }
0xcf: {  	v14 =	vld [tilespmem:s14+$0x10]  }
0xd0: {  	p2 =	sgt.s32 s20, $0x4;
	v15 =	vld [tilespmem:s14+$0xFFFFFFF0]  }
.Ltmp6:
0xd1: {  	s6 =	simm.s32 $0x0;
	s13 =	simm.s32 $0x20;
	vm4 =	vle.s32 v13, v11;
	v13 =	vld [tilespmem:s14+$0x0];
	(pc) =	sbr.rel @!p2 .LBB2_17-.Ltmp6, $4  }
0xd2: {  	s29 =	simm.s32 $0x30;
	s28 =	simm.s32 $0x10;
	v16 =	vor.u32 s6, v1;
	v17 =	vor.u32 s13, v1  }
0xd3: {  	v18 =	vor.u32 s29, v1;
	v63 =	vor.u32 s28, v1;
	vm2 =	vlt.s32 v16, v10  }
0xd4: {  	vm0 =	vlt.s32 v18, v10;
	vm3 =	vlt.s32 v63, v10;
	vm1 =	vlt.s32 v17, v10  }
0xd5: {  	s13 =	simm.s32 $0x4;
	vm5 =	vle.s32 v15, v11;
	s14 =	simm.s32 $0x8060;
	vm4 =	vmand vm2, vm4;
	vm2 =	vle.s32 v14, v11  }
.LBB2_16:
0xd6: {  	v14 =	vld [tilespmem:s14+$0x10];
	v15 =	vsel vm4, $0x1, v2;
	vm3 =	vmand vm3, vm5;
	vm4 =	vle.s32 v13, v11  }
0xd7: {  	s13 =	sadd.s32 $0x4, s13;
	v16 =	vld [tilespmem:s14+$0xFFFFFFE0];
	v12 =	vadd.s32 v15, v12;
	v13 =	vsel vm3, $0x1, v2;
	vm1 =	vmand vm1, vm4  }
0xd8: {  	vm0 =	vmand vm0, vm2;
	s6 =	sadd.s32 $0x40, s6;
	p2 =	slt.s32 s13, s20;
	v15 =	vld [tilespmem:s14+$0xFFFFFFF0];
	v12 =	vadd.s32 v13, v12;
	v17 =	vsel vm1, $0x1, v2  }
.Ltmp7:
0xd9: {  	v18 =	vor.u32 s6, v1;
	s28 =	sadd.s32 $0x20, s6;
	s29 =	sadd.s32 $0x30, s6;
	v13 =	vld [tilespmem:s14+$0x0];
	v12 =	vadd.s32 v17, v12;
	v17 =	vsel vm0, $0x1, v2;
	(pc) =	sbr.rel @p2 .LBB2_16-.Ltmp7, $4  }
0xda: {  	s4 =	sadd.s32 $0x10, s6;
	v19 =	vor.u32 s28, v1;
	v20 =	vor.u32 s29, v1;
	v12 =	vadd.s32 v17, v12  }
0xdb: {  	vm2 =	vlt.s32 v18, v10;
	vm0 =	vlt.s32 v20, v10;
	v17 =	vor.u32 s4, v1  }
0xdc: {  	vm1 =	vlt.s32 v19, v10;
	vm3 =	vlt.s32 v17, v10;
	vm4 =	vle.s32 v16, v11  }
0xdd: {  	s14 =	sadd.s32 $0x40, s14;
	vm4 =	vmand vm2, vm4;
	vm5 =	vle.s32 v15, v11;
	vm2 =	vle.s32 v14, v11  }
.LBB2_17:
0xde: {  	v14 =	vsel vm4, $0x1, v2;
	vm3 =	vmand vm3, vm5;
	vm15 =	vle.s32 v13, v11  }
0xdf: {  	v12 =	vadd.s32 v14, v12;
	v13 =	vsel vm3, $0x1, v2;
	vm1 =	vmand vm1, vm15  }
0xe0: {  	vm0 =	vmand vm0, vm2;
	v12 =	vadd.s32 v13, v12;
	v13 =	vsel vm1, $0x1, v2  }
0xe1: {  	v12 =	vadd.s32 v13, v12;
	v13 =	vsel vm0, $0x1, v2  }
0xe2: {  	v12 =	vadd.s32 v13, v12  }
.LBB2_6:
.Ltmp8:
0xe3: {  	(pc) =	sbr.rel @p0 .LBB2_8-.Ltmp8, $2  }
0xe4: {  	_ =	sdelay $0x2  }
0xe5: {  	s6 =	smov.u32 s8;
	s13 =	smov.u32 s7;
	s14 =	smov.u32 s20  }
.LBB2_7:
0xe6: {  	v13 =	vld [tilespmem:s13+$0x0];
	_ =	sdelay $0x1  }
0xe7: {  	s14 =	sadd.s32 $0x1, s14  }
0xe8: {  	p2 =	slt.s32 s14, s2  }
.Ltmp9:
0xe9: {  	v14 =	vor.u32 s6, v1;
	(pc) =	sbr.rel @p2 .LBB2_7-.Ltmp9, $4  }
0xea: {  	vm0 =	vlt.s32 v14, v10;
	vm1 =	vle.s32 v13, v11  }
0xeb: {  	vm0 =	vmand vm0, vm1  }
0xec: {  	v13 =	vsel vm0, $0x1, v2  }
0xed: {  	s13 =	sadd.s32 $0x10, s13;
	s6 =	sadd.s32 $0x10, s6;
	v12 =	vadd.s32 v13, v12  }
.Ltmp10:
0xee: {  	_ = 	snop;
	(pc) =	sbr.rel .LBB2_8-.Ltmp10, $1  }
0xef: {  	_ =	sdelay $0x3  }
.LBB2_9:
.Ltmp11:
0xf0: {  	(pc) =	sbr.rel @p1 .LBB2_10-.Ltmp11, $3  }
0xf1: {  	_ =	sdelay $0x1  }
0xf2: {  	s4 =	sadd.s32 $0xFFFFFFFF, s1  }
0xf3: {  	v12 =	vimm.s32 $0x0;
	v11 =	vmov s4  }
0xf4: {  	s11 =	simm.s32 $0x8020  }
0xf5: {  	v13 =	vld [tilespmem:s11+$0xFFFFFFE0];
	_ =	sdelay $0x2  }
0xf6: {  	v14 =	vld [tilespmem:s11+$0x10]  }
0xf7: {  	p1 =	sgt.s32 s20, $0x4;
	v15 =	vld [tilespmem:s11+$0xFFFFFFF0]  }
.Ltmp12:
0xf8: {  	s6 =	simm.s32 $0x0;
	s4 =	simm.s32 $0x20;
	vm4 =	vle.s32 v13, v11;
	v13 =	vld [tilespmem:s11+$0x0];
	(pc) =	sbr.rel @!p1 .LBB2_20-.Ltmp12, $4  }
0xf9: {  	s9 =	simm.s32 $0x30;
	s12 =	simm.s32 $0x10;
	v16 =	vor.u32 s6, v1;
	v17 =	vor.u32 s4, v1  }
0xfa: {  	v18 =	vor.u32 s9, v1;
	v63 =	vor.u32 s12, v1;
	vm2 =	vlt.s32 v16, v10  }
0xfb: {  	vm0 =	vlt.s32 v18, v10;
	vm3 =	vlt.s32 v63, v10;
	vm1 =	vlt.s32 v17, v10  }
0xfc: {  	s9 =	simm.s32 $0x4;
	vm5 =	vle.s32 v15, v11;
	s11 =	simm.s32 $0x8060;
	vm4 =	vmand vm2, vm4;
	vm2 =	vle.s32 v14, v11  }
.LBB2_19:
0xfd: {  	v14 =	vld [tilespmem:s11+$0x10];
	v15 =	vsel vm4, $0x1, v2;
	vm3 =	vmand vm3, vm5;
	vm4 =	vle.s32 v13, v11  }
0xfe: {  	s9 =	sadd.s32 $0x4, s9;
	v16 =	vld [tilespmem:s11+$0xFFFFFFE0];
	v12 =	vadd.s32 v15, v12;
	v13 =	vsel vm3, $0x1, v2;
	vm1 =	vmand vm1, vm4  }
0xff: {  	vm0 =	vmand vm0, vm2;
	s6 =	sadd.s32 $0x40, s6;
	p1 =	slt.s32 s9, s20;
	v15 =	vld [tilespmem:s11+$0xFFFFFFF0];
	v12 =	vadd.s32 v13, v12;
	v17 =	vsel vm1, $0x1, v2  }
.Ltmp13:
0x100: {  	v18 =	vor.u32 s6, v1;
	s4 =	sadd.s32 $0x20, s6;
	s12 =	sadd.s32 $0x30, s6;
	v13 =	vld [tilespmem:s11+$0x0];
	v12 =	vadd.s32 v17, v12;
	v17 =	vsel vm0, $0x1, v2;
	(pc) =	sbr.rel @p1 .LBB2_19-.Ltmp13, $4  }
0x101: {  	s13 =	sadd.s32 $0x10, s6;
	v19 =	vor.u32 s4, v1;
	v20 =	vor.u32 s12, v1;
	v12 =	vadd.s32 v17, v12  }
0x102: {  	vm2 =	vlt.s32 v18, v10;
	vm0 =	vlt.s32 v20, v10;
	v17 =	vor.u32 s13, v1  }
0x103: {  	vm1 =	vlt.s32 v19, v10;
	vm3 =	vlt.s32 v17, v10;
	vm4 =	vle.s32 v16, v11  }
0x104: {  	s11 =	sadd.s32 $0x40, s11;
	vm4 =	vmand vm2, vm4;
	vm5 =	vle.s32 v15, v11;
	vm2 =	vle.s32 v14, v11  }
.LBB2_20:
0x105: {  	v14 =	vsel vm4, $0x1, v2;
	vm3 =	vmand vm3, vm5;
	vm15 =	vle.s32 v13, v11  }
0x106: {  	v12 =	vadd.s32 v14, v12;
	v13 =	vsel vm3, $0x1, v2;
	vm1 =	vmand vm1, vm15  }
0x107: {  	vm0 =	vmand vm0, vm2;
	v12 =	vadd.s32 v13, v12;
	v13 =	vsel vm1, $0x1, v2  }
0x108: {  	v12 =	vadd.s32 v13, v12;
	v13 =	vsel vm0, $0x1, v2  }
0x109: {  	v12 =	vadd.s32 v13, v12  }
.LBB2_10:
.Ltmp14:
0x10a: {  	(pc) =	sbr.rel @p0 .LBB2_12-.Ltmp14, $1  }
0x10b: {  	_ =	sdelay $0x3  }
.LBB2_11:
0x10c: {  	v13 =	vld [tilespmem:s7+$0x0];
	_ =	sdelay $0x1  }
0x10d: {  	s20 =	sadd.s32 $0x1, s20  }
0x10e: {  	p0 =	slt.s32 s20, s2  }
.Ltmp15:
0x10f: {  	v14 =	vor.u32 s8, v1;
	(pc) =	sbr.rel @p0 .LBB2_11-.Ltmp15, $4  }
0x110: {  	vm0 =	vlt.s32 v14, v10;
	vm1 =	vle.s32 v13, v11  }
0x111: {  	vm0 =	vmand vm0, vm1  }
0x112: {  	v13 =	vsel vm0, $0x1, v2  }
0x113: {  	s7 =	sadd.s32 $0x10, s7;
	s8 =	sadd.s32 $0x10, s8;
	v12 =	vadd.s32 v13, v12  }
.LBB2_12:
0x114: {  	(xrf0) =	vadd.scan.msk.s32 $0xffff, v12;
	_ =	sdelay $0x5  }
0x115: {  	v11, _, _ =	vpop (xrf0)  }
0x116: {  	(v2sf) =	vpush v11, $0xF;
	_ =	sdelay $0x5  }
0x117: {  	[tilespmem:$0xC000] =	vst v3  }
0x118: {  	[tilespmem:$0xC080] =	vst v2  }
0x119: {  	[tilespmem:$0xC010] =	vst v3  }
0x11a: {  	[tilespmem:$0xC090] =	vst v2  }
0x11b: {  	[tilespmem:$0xC020] =	vst v3;
	p0 =	slt.s32 s2, $0x1  }
.Ltmp16:
0x11c: {  	[tilespmem:$0xC0A0] =	vst v2;
	(pc) =	sbr.rel @p0 .LBB2_25-.Ltmp16, $4  }
0x11d: {  	[tilespmem:$0xC030] =	vst v3  }
0x11e: {  	[tilespmem:$0xC0B0] =	vst v2  }
0x11f: {  	[tilespmem:$0xC040] =	vst v3  }
0x120: {  	[tilespmem:$0xC0C0] =	vst v2;
	s6 =	spop (v2sf)  }
0x121: {  	s4 =	simm.s32 $0x8000  }
0x122: {  	v11 =	vld [tilespmem:s4+$0x0];
	_ =	sdelay $0x2  }
0x123: {  	s7 =	simm.s32 $0x0;
	p1 =	sne.s32 s2, $0x1  }
.Ltmp17:
0x124: {  	v13 =	vmov s1;
	v12 =	vor.u32 s7, v1;
	(pc) =	sbr.rel @!p1 .LBB2_14-.Ltmp17, $4  }
0x125: {  	vm0 =	vlt.s32 v12, v10;
	vm1 =	veq.s32 v11, v13  }
0x126: {  	vm1 =	vmand vm0, vm1  }
0x127: {  	s29 =	ssub.s32 s31, s6;
	v15 =	vsel vm1, $0x1, v2  }
0x128: {  	s1 =	simm.s32 $0xA000;
	s2 =	sadd.s32 $0xFFFFFFFF, s2;
	p0 =	por $0x0, $0x0;
	v12 =	vmov s29;
	vm2 =	vlt.s32 v11, v13;
	v14 =	vsel vm1, $0xFFFFFFFF, v2;
	(xrf0) =	vadd.scan.msk.s32 $0xffff, v15  }
0x129: {  	_ =	sdelay $0x4  }
0x12a: {  	v14 =	vadd.s32 s7, v14;
	v15, _, _ =	vpop (xrf0)  }
0x12b: {  	v14 =	vadd.s32 v15, v14  }
0x12c: {  	vm3 =	vlt.s32 v14, v12  }
0x12d: {  	vm0 =	vmand vm0, vm2;
	vm1 =	vmand vm1, vm3  }
0x12e: {  	vm0 =	vmor vm0, vm1  }
0x12f: {  	v14 =	vsel vm0, $0x1, v2  }
0x130: {  	(xrf0) =	vadd.scan.msk.s32 $0xffff, v14;
	_ =	sdelay $0x4  }
0x131: {  	v14 =	vsel vm0, $0xFFFFFFFF, v2  }
0x132: {  	(v2sf) =	vpush v15, $0xF;
	v14 =	vadd.s32 s7, v14;
	v15, _, _ =	vpop (xrf0)  }
0x133: {  	(v2sf) =	vpush v15, $0xF;
	v14 =	vadd.s32 v15, v14  }
0x134: {  	v15 =	vld [tilespmem:s1+$0x0];
	_ =	sdelay $0x3  }
0x135: {  	[tilespmem:v14+s23+$0x0] =	vst.idx.msk vm0, v11  }
0x136: {  	s9 =	simm.s32 $0x8010;
	[tilespmem:v14+s24+$0x0] =	vst.idx.msk vm0, v15  }
0x137: {  	v11 =	vld [tilespmem:s9+$0x0];
	_ =	sdelay $0x2  }
0x138: {  	s11 =	simm.s32 $0x10;
	p1 =	sne.s32 s2, $0x1  }
.Ltmp18:
0x139: {  	v14 =	vor.u32 s11, v1;
	(pc) =	sbr.rel @!p1 .LBB2_22-.Ltmp18, $4  }
0x13a: {  	vm0 =	vlt.s32 v14, v10;
	vm1 =	veq.s32 v11, v13  }
0x13b: {  	s20 =	sadd.s32 $0xFFFFFFFF, s2;
	vm1 =	vmand vm0, vm1  }
0x13c: {  	p0 =	por $0x1, $0x1;
	s2 =	simm.s32 $0x0;
	s4 =	spop (v2sf);
	v15 =	vsel vm1, $0x1, v2  }
0x13d: {  	s8 =	simm.s32 $0xA000;
	s12 =	sadd.s32 $0x0, s4;
	vm2 =	vlt.s32 v11, v13;
	v14 =	vsel vm1, $0xFFFFFFFF, v2;
	s6 =	spop (v2sf);
	(xrf0) =	vadd.scan.msk.s32 $0xffff, v15  }
.LBB2_23:
0x13e: {  	p1 =	sne.s32 s20, $0x1;
	s2 =	sadd.s32 s2, s6;
	s8 =	sadd.s32 $0x10, s8  }
0x13f: {  	s20 =	sadd.s32 $0xFFFFFFFF, s20;
	_ =	sdelay $0x3  }
0x140: {  	v14 =	vadd.s32 s12, v14;
	v15, _, _ =	vpop (xrf0)  }
0x141: {  	v14 =	vadd.s32 v15, v14;
	(v2sf) =	vpush v15, $0xF  }
0x142: {  	vm3 =	vlt.s32 v14, v12  }
0x143: {  	vm0 =	vmand vm0, vm2;
	vm1 =	vmand vm1, vm3  }
0x144: {  	vm0 =	vmor vm0, vm1  }
0x145: {  	v14 =	vsel vm0, $0xFFFFFFFF, v2;
	v15 =	vsel vm0, $0x1, v2  }
0x146: {  	(xrf0) =	vadd.scan.msk.s32 $0xffff, v15;
	_ =	sdelay $0x5  }
0x147: {  	v14 =	vadd.s32 s2, v14;
	v15, _, _ =	vpop (xrf0)  }
0x148: {  	v14 =	vadd.s32 v15, v14;
	(v2sf) =	vpush v15, $0xF  }
0x149: {  	v15 =	vld [tilespmem:s8+$0x0];
	_ =	sdelay $0x1  }
0x14a: {  	s4 =	spop (v2sf)  }
0x14b: {  	s12 =	sadd.s32 s12, s4  }
0x14c: {  	[tilespmem:v14+s23+$0x0] =	vst.idx.msk vm0, v11  }
0x14d: {  	s9 =	sadd.s32 $0x10, s9;
	[tilespmem:v14+s24+$0x0] =	vst.idx.msk vm0, v15  }
0x14e: {  	v11 =	vld [tilespmem:s9+$0x0];
	_ =	sdelay $0x2  }
0x14f: {  	s11 =	sadd.s32 $0x10, s11  }
.Ltmp19:
0x150: {  	v14 =	vor.u32 s11, v1;
	(pc) =	sbr.rel @p1 .LBB2_23-.Ltmp19, $4  }
0x151: {  	vm0 =	vlt.s32 v14, v10;
	vm2 =	vlt.s32 v11, v13;
	vm1 =	veq.s32 v11, v13  }
0x152: {  	vm1 =	vmand vm0, vm1  }
0x153: {  	v14 =	vsel vm1, $0xFFFFFFFF, v2;
	v15 =	vsel vm1, $0x1, v2  }
0x154: {  	(xrf0) =	vadd.scan.msk.s32 $0xffff, v15;
	s6 =	spop (v2sf)  }
.LBB2_24:
0x155: {  	_ =	sdelay $0x4  }
0x156: {  	v10 =	vadd.s32 s12, v14;
	v13, _, _ =	vpop (xrf0)  }
0x157: {  	v10 =	vadd.s32 v13, v10  }
0x158: {  	vm3 =	vlt.s32 v10, v12  }
0x159: {  	vm0 =	vmand vm0, vm2;
	vm1 =	vmand vm1, vm3  }
0x15a: {  	vm0 =	vmor vm0, vm1  }
0x15b: {  	v10 =	vsel vm0, $0x1, v2  }
0x15c: {  	(xrf0) =	vadd.scan.msk.s32 $0xffff, v10;
	_ =	sdelay $0x5  }
0x15d: {  	(v2sf) =	vpush v13, $0xF;
	v10, _, _ =	vpop (xrf0)  }
0x15e: {  	(v2sf) =	vpush v10, $0xF;
	_ =	sdelay $0x5  }
0x15f: {  	s2 =	sadd.s32 @p0 s2, s6  }
0x160: {  	s7 =	smov.u32 @p0 s2;
	v62 =	vsel vm0, $0xFFFFFFFF, v2  }
0x161: {  	s2 =	sadd.s32 @p0 $0x10, s8;
	v12 =	vadd.s32 s7, v62  }
0x162: {  	s1 =	smov.u32 @p0 s2;
	v10 =	vadd.s32 v10, v12  }
0x163: {  	v63 =	vld [tilespmem:s1+$0x0];
	_ =	sdelay $0x3  }
0x164: {  	s28 =	spop (v2sf);
	[tilespmem:v10+s23+$0x0] =	vst.idx.msk vm0, v11  }
0x165: {  	[tilespmem:v10+s24+$0x0] =	vst.idx.msk vm0, v63;
	s29 =	spop (v2sf)  }
.LBB2_25:
0x166: {  	v10 =	vld [tilespmem:$0xC080]  }
0x167: {  	v11 =	vld [tilespmem:$0xC090]  }
0x168: {  	v12 =	vld [tilespmem:$0xC0A0]  }
0x169: {  	v13 =	vld [tilespmem:$0xC0B0];
	_ =	sdelay $0x4  }
0x16a: {  	v14 =	vld.idx.msk [tilespmem:v10+s18+$0x0], $0xffff  }
0x16b: {  	v15 =	vld.idx.msk [tilespmem:v11+s18+$0x0], $0xffff  }
0x16c: {  	v16 =	vld.idx.msk [tilespmem:v12+s18+$0x0], $0xffff  }
0x16d: {  	v17 =	vld.idx.msk [tilespmem:v13+s18+$0x0], $0xffff;
	_ =	sdelay $0x1  }
0x16e: {  	v18 =	vmov s31  }
0x16f: {  	v19 =	vor.u32 $0x30, v1;
	vm0 =	vgt.s32 v18, v1;
	vm1 =	vgt.s32 v18, v5  }
0x170: {  	vm2 =	vgt.s32 v18, v19;
	v14 =	vnsel vm0, $0xFFFFFFFF, v14;
	vm0 =	vgt.s32 v18, v4  }
0x171: {  	v16 =	vnsel vm1, $0xFFFFFFFF, v16;
	v17 =	vnsel vm2, $0xFFFFFFFF, v17;
	v15 =	vnsel vm0, $0xFFFFFFFF, v15  }
0x172: {  	vm1 =	vgt.s32 v16, v17;
	vm0 =	vgt.s32 v14, v15  }
0x173: {  	v19 =	vsel vm1, v16, v17;
	v18 =	vsel vm0, v14, v15  }
0x174: {  	vm0 =	vgt.s32 v18, v19  }
0x175: {  	v18 =	vsel vm0, v18, v19  }
0x176: {  	v18 =	vxor.u32 $0x80000000, v18  }
0x177: {  	(xrf0) =	vmax.scan.msk.u32 $0xffff, v18;
	_ =	sdelay $0x5  }
0x178: {  	v18, _, _ =	vpop (xrf0)  }
0x179: {  	(v2sf) =	vpush v18, $0xF;
	_ =	sdelay $0xa  }
0x17a: {  	v20 =	vld [tilespmem:$0xC030]  }
0x17b: {  	v21 =	vld [tilespmem:$0xC020]  }
0x17c: {  	v19 =	vld [tilespmem:$0xC010]  }
0x17d: {  	v18 =	vld [tilespmem:$0xC000]  }
0x17e: {  	s1 =	spop (v2sf)  }
0x17f: {  	s1 =	sxor.u32 $0x80000000, s1  }
0x180: {  	vm0 =	veq.s32 v15, s1;
	vm1 =	veq.s32 v17, s1  }
0x181: {  	v22 =	vnsel vm0, $0x7FFFFFFF, v19;
	v23 =	vnsel vm1, $0x7FFFFFFF, v20  }
0x182: {  	vm2 =	veq.s32 v16, s1;
	vm3 =	vlt.s32 v18, v22;
	vm4 =	vlt.s32 v21, v23  }
0x183: {  	vm5 =	veq.s32 v14, s1;
	v24 =	vsel vm3, v18, v22;
	v25 =	vsel vm4, v21, v23  }
0x184: {  	v22 =	vsel vm5, v24, v22;
	v23 =	vsel vm2, v25, v23  }
0x185: {  	vm3 =	vlt.s32 v22, v23  }
0x186: {  	v22 =	vsel vm3, v22, v23  }
0x187: {  	v22 =	vxor.u32 $0x80000000, v22  }
0x188: {  	(xrf0) =	vmin.scan.msk.u32 $0xffff, v22;
	_ =	sdelay $0x5  }
0x189: {  	v22, _, _ =	vpop (xrf0)  }
0x18a: {  	(v2sf) =	vpush v22, $0xF;
	_ =	sdelay $0xe  }
0x18b: {  	s28 =	spop (v2sf)  }
0x18c: {  	s1 =	sxor.u32 $0x80000000, s28  }
0x18d: {  	vm3 =	veq.s32 v19, s1;
	vm4 =	veq.s32 v20, s1  }
0x18e: {  	vm6 =	veq.s32 v18, s1;
	vm0 =	vmand vm0, vm3;
	vm1 =	vmand vm1, vm4  }
0x18f: {  	vm3 =	veq.s32 v21, s1;
	v22 =	vnsel vm0, $0x7FFFFFFF, v11;
	v23 =	vnsel vm1, $0x7FFFFFFF, v13  }
0x190: {  	vm2 =	vmand vm2, vm3;
	vm3 =	vlt.s32 v10, v22;
	vm4 =	vlt.s32 v12, v23  }
0x191: {  	vm5 =	vmand vm5, vm6;
	v62 =	vsel vm3, v10, v22;
	v63 =	vsel vm4, v12, v23  }
0x192: {  	v22 =	vsel vm5, v62, v22;
	v23 =	vsel vm2, v63, v23  }
0x193: {  	vm3 =	vlt.s32 v22, v23  }
0x194: {  	v22 =	vsel vm3, v22, v23  }
0x195: {  	v22 =	vxor.u32 $0x80000000, v22  }
0x196: {  	(xrf0) =	vmin.scan.msk.u32 $0xffff, v22;
	_ =	sdelay $0x5  }
0x197: {  	v22, _, _ =	vpop (xrf0)  }
0x198: {  	(v2sf) =	vpush v22, $0xF;
	_ =	sdelay $0xb  }
0x199: {  	s29 =	simm.s32 $0x0  }
0x19a: {  	v22 =	vmov s29;
	_ =	sdelay $0x1  }
0x19b: {  	s31 =	spop (v2sf)  }
0x19c: {  	s2 =	sxor.u32 $0x80000000, s31  }
0x19d: {  	v23 =	vmov s2;
	vm3 =	veq.s32 v10, s2;
	vm4 =	veq.s32 v11, s2  }
0x19e: {  	s1 =	simm.s32 $0x1;
	vm6 =	veq.s32 v13, s2;
	vm5 =	vmand vm5, vm3;
	vm3 =	veq.s32 v12, s2;
	[tilespmem:v22+s25+$0x0] =	vst.idx.msk $0x1, v23  }
.LBB2_26:
0x19f: {  	p0 =	sne.s32 s1, $0x1F;
	vm0 =	vmand vm0, vm4;
	vm1 =	vmand vm1, vm6;
	v14 =	vsel vm5, $0xFFFFFFFF, v14;
	s2 =	smov.u32 s1;
	s1 =	sadd.s32 $0x1, s1  }
0x1a0: {  	vm2 =	vmand vm2, vm3;
	v15 =	vsel vm0, $0xFFFFFFFF, v15;
	v17 =	vsel vm1, $0xFFFFFFFF, v17  }
0x1a1: {  	v16 =	vsel vm2, $0xFFFFFFFF, v16;
	vm0 =	vgt.s32 v14, v15  }
0x1a2: {  	vm1 =	vgt.s32 v16, v17  }
0x1a3: {  	v22 =	vsel vm0, v14, v15;
	v23 =	vsel vm1, v16, v17  }
0x1a4: {  	vm0 =	vgt.s32 v22, v23  }
0x1a5: {  	v22 =	vsel vm0, v22, v23  }
0x1a6: {  	v22 =	vxor.u32 $0x80000000, v22  }
0x1a7: {  	(xrf0) =	vmax.scan.msk.u32 $0xffff, v22;
	_ =	sdelay $0x5  }
0x1a8: {  	v22, _, _ =	vpop (xrf0)  }
0x1a9: {  	(v2sf) =	vpush v22, $0xF;
	_ =	sdelay $0xe  }
0x1aa: {  	s4 =	spop (v2sf)  }
0x1ab: {  	s4 =	sxor.u32 $0x80000000, s4  }
0x1ac: {  	vm0 =	veq.s32 v15, s4;
	vm1 =	veq.s32 v17, s4  }
0x1ad: {  	v22 =	vnsel vm0, $0x7FFFFFFF, v19;
	v23 =	vnsel vm1, $0x7FFFFFFF, v20  }
0x1ae: {  	vm2 =	veq.s32 v16, s4;
	vm4 =	vlt.s32 v18, v22;
	vm5 =	vlt.s32 v21, v23  }
0x1af: {  	vm3 =	veq.s32 v14, s4;
	v24 =	vsel vm4, v18, v22;
	v25 =	vsel vm5, v21, v23  }
0x1b0: {  	v22 =	vsel vm3, v24, v22;
	v23 =	vsel vm2, v25, v23  }
0x1b1: {  	vm4 =	vlt.s32 v22, v23  }
0x1b2: {  	v22 =	vsel vm4, v22, v23  }
0x1b3: {  	v22 =	vxor.u32 $0x80000000, v22  }
0x1b4: {  	(xrf0) =	vmin.scan.msk.u32 $0xffff, v22;
	_ =	sdelay $0x5  }
0x1b5: {  	v22, _, _ =	vpop (xrf0)  }
0x1b6: {  	(v2sf) =	vpush v22, $0xF;
	_ =	sdelay $0xe  }
0x1b7: {  	s4 =	spop (v2sf)  }
0x1b8: {  	s4 =	sxor.u32 $0x80000000, s4  }
0x1b9: {  	vm4 =	veq.s32 v18, s4;
	vm5 =	veq.s32 v19, s4;
	vm6 =	veq.s32 v20, s4  }
0x1ba: {  	vm0 =	vmand vm0, vm5;
	vm5 =	veq.s32 v21, s4;
	vm1 =	vmand vm1, vm6  }
0x1bb: {  	v22 =	vnsel vm0, $0x7FFFFFFF, v11;
	v23 =	vnsel vm1, $0x7FFFFFFF, v13  }
0x1bc: {  	vm2 =	vmand vm2, vm5;
	vm5 =	vlt.s32 v10, v22;
	vm6 =	vlt.s32 v12, v23  }
0x1bd: {  	vm3 =	vmand vm3, vm4;
	v24 =	vsel vm5, v10, v22;
	v25 =	vsel vm6, v12, v23  }
0x1be: {  	v22 =	vsel vm3, v24, v22;
	v23 =	vsel vm2, v25, v23  }
0x1bf: {  	vm4 =	vlt.s32 v22, v23  }
0x1c0: {  	v22 =	vsel vm4, v22, v23  }
0x1c1: {  	v22 =	vxor.u32 $0x80000000, v22  }
0x1c2: {  	(xrf0) =	vmin.scan.msk.u32 $0xffff, v22;
	_ =	sdelay $0x5  }
0x1c3: {  	v22, _, _ =	vpop (xrf0)  }
0x1c4: {  	(v2sf) =	vpush v22, $0xF;
	_ =	sdelay $0xc  }
0x1c5: {  	v22 =	vmov s2  }
.Ltmp20:
0x1c6: {  	(pc) =	sbr.rel @p0 .LBB2_26-.Ltmp20, $4  }
0x1c7: {  	s2 =	spop (v2sf)  }
0x1c8: {  	s2 =	sxor.u32 $0x80000000, s2  }
0x1c9: {  	v23 =	vmov s2;
	vm5 =	veq.s32 v10, s2;
	vm4 =	veq.s32 v11, s2  }
0x1ca: {  	vm6 =	veq.s32 v13, s2;
	vm5 =	vmand vm3, vm5;
	vm3 =	veq.s32 v12, s2;
	[tilespmem:v22+s25+$0x0] =	vst.idx.msk $0x1, v23  }
0x1cb: {  	v10 =	vld [tilespmem:$0xC100];
	_ =	sdelay $0x7  }
0x1cc: {  	v11 =	vld.idx.msk [tilespmem:v10+s3+$0x0], $0xffff  }
0x1cd: {  	v12 =	vld.idx.msk [tilespmem:v10+s16+$0x0], $0xffff  }
0x1ce: {  	v13 =	vld.idx.msk [tilespmem:v10+s17+$0x0], $0xffff;
	_ =	sdelay $0x1  }
0x1cf: {  	p0 =	slt.s32 s0, $0x20;
	v14 =	vmul.u32 $0x4, v1  }
0x1d0: {  	s0 =	simm.s32 @!p0 $0x20;
	v11 =	vsub.f32 v11, v9  }
0x1d1: {  	v15 =	vmov s0;
	v16 =	vor.u32 $0x1, v14;
	v12 =	vsub.f32 v12, v8  }
0x1d2: {  	v17 =	vor.u32 $0x2, v14;
	v10 =	vld.idx.msk [tilespmem:v10+s18+$0x0], $0xffff;
	v13 =	vsub.f32 v13, v7;
	v11 =	vmul.f32 $5.000000000e+00, v11  }
0x1d3: {  	v18 =	vor.u32 $0x3, v14;
	vm0 =	vgt.s32 v15, v1;
	v12 =	vmul.f32 $5.000000000e+00, v12  }
0x1d4: {  	v13 =	vmul.f32 $5.000000000e+00, v13;
	v11 =	vnsel vm0, $0x0, v11  }
0x1d5: {  	v55 =	vnsel vm0, $0x0, v12;
	[tilespmem:v14+s26+$0x0] =	vst.idx.msk $0xffff, v11  }
0x1d6: {  	v56 =	vnsel vm0, $0x0, v13;
	[tilespmem:v16+s26+$0x0] =	vst.idx.msk $0xffff, v55  }
0x1d7: {  	v10 =	vnsel vm0, $0x0, v10;
	[tilespmem:v17+s26+$0x0] =	vst.idx.msk $0xffff, v56  }
0x1d8: {  	[tilespmem:v18+s26+$0x0] =	vst.idx.msk $0xffff, v10  }
0x1d9: {  	v10 =	vld [tilespmem:$0xC110];
	_ =	sdelay $0x5  }
0x1da: {  	v57 =	vsel vm0, $0x1, v2  }
0x1db: {  	[tilespmem:$0xC200] =	vst v57  }
0x1dc: {  	v11 =	vld.idx.msk [tilespmem:v10+s3+$0x0], $0xffff  }
0x1dd: {  	v58 =	vld.idx.msk [tilespmem:v10+s16+$0x0], $0xffff  }
0x1de: {  	v59 =	vld.idx.msk [tilespmem:v10+s17+$0x0], $0xffff;
	_ =	sdelay $0x2  }
0x1df: {  	v61 =	vor.u32 $0x40, v14;
	v60 =	vsub.f32 v11, v9  }
0x1e0: {  	v62 =	vor.u32 $0x41, v14;
	v8 =	vsub.f32 v58, v8  }
0x1e1: {  	v63 =	vor.u32 $0x42, v14;
	v10 =	vld.idx.msk [tilespmem:v10+s18+$0x0], $0xffff;
	v7 =	vsub.f32 v59, v7;
	v9 =	vmul.f32 $5.000000000e+00, v60  }
0x1e2: {  	vm15 =	vgt.s32 v15, v4;
	v14 =	vor.u32 $0x43, v14;
	v8 =	vmul.f32 $5.000000000e+00, v8  }
0x1e3: {  	v7 =	vmul.f32 $5.000000000e+00, v7;
	v9 =	vnsel vm15, $0x0, v9  }
0x1e4: {  	v8 =	vnsel vm15, $0x0, v8;
	[tilespmem:v61+s26+$0x0] =	vst.idx.msk $0xffff, v9  }
0x1e5: {  	v7 =	vnsel vm15, $0x0, v7;
	[tilespmem:v62+s26+$0x0] =	vst.idx.msk $0xffff, v8  }
0x1e6: {  	s29 =	sshll.u32 s30, $0x4;
	v8 =	vnsel vm15, $0x0, v10;
	[tilespmem:v63+s26+$0x0] =	vst.idx.msk $0xffff, v7  }
0x1e7: {  	s1 =	rddreg [dreg:$0x5];
	s0 =	sadd.s32 s10, s29;
	v7 =	vsel vm15, $0x1, v2;
	[tilespmem:v14+s26+$0x0] =	vst.idx.msk $0xffff, v8  }
0x1e8: {  	s1 =	sadd.s32 s1, s0;
	[tilespmem:$0xC210] =	vst v7  }
0x1e9: {  	[hbm4b:s1+s3] =	stream.linear.scatter [tilespmem:s26], [sflag:$0x1], $0x80, $0x38;
	[tilespmem:$0xD300] =	vst v63  }
0x1ea: {  	_ =	swait.ge [sflag:s15], $0x80  }
0x1eb: {  	s31 =	simm.s32 $0xC200;
	s30 =	sadd.s32 $0x1, s30;
	[sflag:s15] =	ssyncset.done $0x0  }
0x1ec: {  	p0 =	sne.s32 s30, $0x20;
	s0 =	sadd.s32 s5, s0;
	[sflag:s15] =	ssyncadd.s32 $0xFFFFFF80  }
0x1ed: {  	[hbm4b:s0+s3] =	stream.linear.scatter [tilespmem:s31], [sflag:$0x1], $0x80, $0x38;
	[tilespmem:$0xD300] =	vst v63  }
.Ltmp21:
0x1ee: {  	_ = 	snop;
	(pc) =	sbr.rel @p0 .LBB2_2-.Ltmp21, $4  }
.Ltmp22:
0x1ef: {  	_ = 	snop;
	(pc) =	sbr.rel @!p0 .LBB2_28-.Ltmp22, $4  }
0x1f0: {  	_ =	swait.ge [sflag:s15], $0x80  }
0x1f1: {  	[sflag:s15] =	ssyncset.done $0x0  }
0x1f2: {  	[sflag:s15] =	ssyncadd.s32 $0xFFFFFF80  }
0x1f3: {  	_ = 	snop  }
.LBB2_14:
.Ltmp23:
0x1f4: {  	(pc) =	sbr.rel .LBB2_24-.Ltmp23, $2  }
0x1f5: {  	_ =	sdelay $0x2  }
0x1f6: {  	s2 =	simm.s32 $0x0;
	s8 =	simm.s32 $0xA000;
	s12 =	simm.s32 $0x0  }
.LBB2_22:
.Ltmp24:
0x1f7: {  	(pc) =	sbr.rel .LBB2_24-.Ltmp24, $2  }
0x1f8: {  	_ =	sdelay $0x2  }
0x1f9: {  	s2 =	simm.s32 $0x0;
	s8 =	simm.s32 $0xA000  }
.LBB2_29:
0x1fa: {  	_ =	sfence.sel $0x180000  }
0x1fb: {  	[bflag:$0x0] =	sbarrier.arrive $0xFFFF  }
0x1fc: {  	_ =	strace $0x90000047  }
0x1fd: {  	s0 =	stileid.u32;
	[bflag:$0x2] =	sbarrier.arrive $0xFFFF  }
0x1fe: {  	p0 =	sne.s32 s0, $0x0;
	s0 =	rddreg [dreg:$0x4]  }
0x1ff: {  	s0 =	sadd.s32 @!p0 $0x100000, s0  }
0x200: {  	[sflag:s0] =	ssyncadd.tile.s32 @!p0 $0x1;
	_ =	shalt  }
.Lfunc_end2:
_tile_overlayer_lowered:
.L_overlay_start_2:
0x201: {  	(tag) =	ssettag $0x2  }
0x202: {  	s0 =	rddreg [dreg:$0x0];
	s2 =	stileid.u32  }
0x203: {  	s1 =	rddreg [dreg:$0x1];
	p0 =	sne.s32 s2, $0x0  }
0x204: {  	s3 =	rddreg [dreg:$0x2];
	[bflag:$0x3] =	sbarrier.arrive $0xFFFF;
	s2 =	simm.s32 @!p0 $0x1C01  }
0x205: {  	[timem:s3], [sflag:s2] =	dma.local @!p0 [hbm:s0], s1  }
0x206: {  	s0 =	simm.s32 @!p0 $0x1  }
0x207: {  	_ =	swait.ge @!p0 [sflag:s0], s1  }
0x208: {  	s1 =	ssub.s32 @!p0 $0x0, s1;
	[sflag:s0] =	ssyncset.done @!p0 $0x0  }
0x209: {  	[sflag:s0] =	ssyncadd.s32 @!p0 s1  }
0x20a: {  	[bflag:$0x3] =	sbarrier.arrive $0xFFFF  }
0x20b: {  	_ =	shalt  }

</sc_bundles>
